<compile_context>
chip_gen: v7x
topology: tpu7x:2x2x1
jax: 0.10.2.dev20260603
libtpu: 0.0.44.dev20260713+nightly
codegen_flags: <defaults>
</compile_context>

<pallas_src>
import functools

import jax
import jax.numpy as jnp
from jax import lax
from jax.experimental import pallas as pl
from jax.experimental.pallas import tpu as pltpu
from jax.experimental.pallas import tpu_sc as plsc

NUM_EMB = 8192
DIM = 256
ROW_TILE = 1024


LANE = 128


def _argmin_body(x_ref, emb_ref, idx_ref, embt_ref, esq_ref):
    i = pl.program_id(0)

    @pl.when(i == 0)
    def _():
        e = emb_ref[...]
        esq_ref[...] = jnp.sum(e * e, axis=0, keepdims=True)
        embt_ref[...] = e.T

    x = x_ref[...]
    sim2 = jnp.dot(x * (-2.0), emb_ref[...],
                   preferred_element_type=jnp.float32)
    xsq = jnp.sum(x * x, axis=1, keepdims=True)
    esq = esq_ref[...]

    n_chunks = NUM_EMB // LANE
    best = jnp.full((ROW_TILE, LANE), jnp.inf, jnp.float32)
    bestc = jnp.zeros((ROW_TILE, LANE), jnp.float32)
    for c in range(n_chunks):
        sl = slice(c * LANE, (c + 1) * LANE)
        d_c = (xsq + esq[:, sl]) + sim2[:, sl]
        take = d_c < best
        best = jnp.minimum(best, d_c)
        bestc = jnp.where(take, jnp.float32(c), bestc)

    m = jnp.min(best, axis=1, keepdims=True)
    lane = lax.broadcasted_iota(jnp.int32, (ROW_TILE, LANE), 1).astype(jnp.float32)
    colf = bestc * jnp.float32(LANE) + lane
    idxf = jnp.min(jnp.where(best == m, colf, jnp.float32(3e38)),
                   axis=1, keepdims=True)
    idx_ref[...] = idxf.astype(jnp.int32).T.reshape(1, 1, ROW_TILE)


def _codebook_argmin(flat, embeddings):
    n_rows = flat.shape[0]
    grid = (n_rows // ROW_TILE,)
    idx3, table = pl.pallas_call(
        _argmin_body,
        grid=grid,
        in_specs=[
            pl.BlockSpec((ROW_TILE, DIM), lambda i: (i, 0)),
            pl.BlockSpec((DIM, NUM_EMB), lambda i: (0, 0)),
        ],
        out_specs=[
            pl.BlockSpec((1, 1, ROW_TILE), lambda i: (i, 0, 0)),
            pl.BlockSpec((NUM_EMB, DIM), lambda i: (0, 0)),
        ],
        out_shape=[
            jax.ShapeDtypeStruct((grid[0], 1, ROW_TILE), jnp.int32),
            jax.ShapeDtypeStruct((NUM_EMB, DIM), jnp.float32),
        ],
        scratch_shapes=[
            pltpu.VMEM((1, NUM_EMB), jnp.float32),
        ],
        compiler_params=pltpu.CompilerParams(
            dimension_semantics=("arbitrary",),
        ),
    )(flat, embeddings)
    return idx3.reshape(n_rows), table


def _make_sc_gather(n_rows):
    info = plsc.get_sparse_core_info()
    nw = info.num_cores * info.num_subcores
    b_per_w = n_rows // nw
    mesh = plsc.VectorSubcoreMesh(core_axis_name="c", subcore_axis_name="s")

    @functools.partial(
        pl.kernel, mesh=mesh,
        out_type=jax.ShapeDtypeStruct((n_rows, DIM), jnp.float32),
        scratch_types=[
            pltpu.VMEM((b_per_w,), jnp.int32),
            pltpu.VMEM((b_per_w, DIM), jnp.float32),
            pltpu.SemaphoreType.DMA,
        ],
    )
    def gather(table_hbm, idx_hbm, out_hbm, idx_v, rows_v, sem):
        wid = lax.axis_index("s") * info.num_cores + lax.axis_index("c")
        base = wid * b_per_w
        pltpu.sync_copy(idx_hbm.at[pl.ds(base, b_per_w)], idx_v)
        pltpu.async_copy(table_hbm.at[idx_v], rows_v, sem).wait()
        pltpu.sync_copy(rows_v, out_hbm.at[pl.ds(base, b_per_w)])

    return gather


def kernel(x, embeddings):
    B, T, D = x.shape
    flat = x.reshape(B * T, D)
    idx, table = _codebook_argmin(flat, embeddings)
    quantized = _make_sc_gather(B * T)(table, idx)
    return quantized.reshape(B, T, D)

# --- scband reference (transcript-rebuilt; emitter-appended) ---
"""Pipeline reference for scband-vector-quantizer-15375982920157 (READ-ONLY COPY).

The authoritative reference and input builder live on the scoring server;
editing this copy changes nothing except your own understanding.
"""

import jax, jax.numpy as jnp
import numpy as np

NUM_EMBEDDINGS = 8192
EMBEDDING_DIM = 256
BETA = 0.25

def setup_inputs(seed: int = 0) -> dict:
    key = jax.random.key(seed)
    kx, ke = jax.random.split(key)
    x = jax.random.normal(kx, (32, 256, EMBEDDING_DIM), dtype=jnp.float32)
    # keras RandomUniform default: U(-0.05, 0.05); shape (embedding_dim, num_embeddings)
    embeddings = jax.random.uniform(ke, (EMBEDDING_DIM, NUM_EMBEDDINGS), dtype=jnp.float32, minval=-0.05, maxval=0.05)
    return {"x": x, "embeddings": embeddings}

def reference(x, embeddings):
    # Original keras layer loops over axis 1 (time/patch dim); each slice x[:, i]
    # is processed independently, so flattening (B, T, D) -> (B*T, D) is exactly
    # equivalent for the returned output.
    B, T, D = x.shape
    flat = x.reshape(B * T, D)
    # get_code_indices
    similarity = jnp.matmul(flat, embeddings)                       # [BT, K]
    distances = (jnp.sum(flat ** 2, axis=1, keepdims=True)
                 + jnp.sum(embeddings ** 2, axis=0)
                 - 2.0 * similarity)                                # [BT, K]
    encoding_indices = jnp.argmin(distances, axis=1)                # [BT]
    # one-hot matmul quantization (faithful to original, compute-heavy path)
    encodings = jax.nn.one_hot(encoding_indices, NUM_EMBEDDINGS, dtype=flat.dtype)  # [BT, K]
    quantized = jnp.matmul(encodings, embeddings.T)                 # [BT, D]
    # straight-through estimator
    quantized = flat + jax.lax.stop_gradient(quantized - flat)
    return quantized.reshape(B, T, D)

if False:  # reference __main__ guard neutralized (emitter)
    out = reference(**setup_inputs())
    print(out.shape)

if __name__ == "__main__":
    import jax
    _d = setup_inputs()
    print(jax.jit(kernel)(*tuple(_d.values())))

</pallas_src>

<mosaic_0001>
#map = affine_map<(d0, d1) -> (0, 0)>
#map1 = affine_map<(d0, d1) -> (0)>
module attributes {stable_mosaic.version = 14 : i64} {
  func.func @gather(%arg0: i32, %arg1: i32, %arg2: memref<8192x256xf32, #tpu.memory_space<hbm>>, %arg3: memref<8192xi32, #tpu.memory_space<hbm>>, %arg4: memref<8192x256xf32, #tpu.memory_space<hbm>>, %arg5: memref<256xi32, #tpu.memory_space<vmem>>, %arg6: memref<256x256xf32, #tpu.memory_space<vmem>>, %arg7: memref<!tpu.dma_semaphore, #tpu.memory_space<semaphore_mem>>) attributes {dimension_semantics = [#tpu.dimension_semantics<core_parallel>, #tpu.dimension_semantics<subcore_parallel>], iteration_bounds = array<i64: 2, 16>, scalar_prefetch = 0 : i64, scratch_operands = 3 : i64, tpu.core_type = #tpu.core_type<sc_vector_subcore>, window_params = [{transform_indices = #map}, {transform_indices = #map1}, {transform_indices = #map}]} {
    %mul3A = arith.constant 2 : i32
    %mul3A_0 = arith.muli %arg1, %mul3A : i32
    %add3A = arith.addi %mul3A_0, %arg0 : i32
    %mul3A_1 = arith.constant 256 : i32
    %mul3A_2 = arith.muli %add3A, %mul3A_1 : i32
    "tpu.region"() ({
      %run_scoped3A = tpu.sem_alloc : memref<!tpu.dma_semaphore, #tpu.memory_space<semaphore_mem>>
      %dma_start3A_7 = tpu.memref_slice %arg3[%mul3A_2] : memref<8192xi32, #tpu.memory_space<hbm>> -> memref<256xi32, #tpu.memory_space<hbm>>
      %dma_start3A_8 = tpu.memref_slice %arg3[%mul3A_2] : memref<8192xi32, #tpu.memory_space<hbm>> -> memref<256xi32, #tpu.memory_space<hbm>>
      tpu.enqueue_dma source(%dma_start3A_8 : memref<256xi32, #tpu.memory_space<hbm>>) target(%arg5 : memref<256xi32, #tpu.memory_space<vmem>>) target_semaphore(%run_scoped3A : memref<!tpu.dma_semaphore, #tpu.memory_space<semaphore_mem>>)
      %dma_wait3A_9 = tpu.memref_slice %arg3[%mul3A_2] : memref<8192xi32, #tpu.memory_space<hbm>> -> memref<256xi32, #tpu.memory_space<hbm>>
      %dma_wait3A_10 = tpu.memref_slice %arg3[%mul3A_2] : memref<8192xi32, #tpu.memory_space<hbm>> -> memref<256xi32, #tpu.memory_space<hbm>>
      tpu.wait_dma2 semaphore(%run_scoped3A : memref<!tpu.dma_semaphore, #tpu.memory_space<semaphore_mem>>) src(%dma_wait3A_10 : memref<256xi32, #tpu.memory_space<hbm>>) dst(%arg5 : memref<256xi32, #tpu.memory_space<vmem>>)
      tpu.yield
    }) : () -> ()
    %dma_start3A = arith.constant 0 : i32
    %dma_start3A_3 = arith.constant 0 : i32
    %dma_start3A_4 = tpu.memref_slice %arg2[%dma_start3A, %dma_start3A_3] : memref<8192x256xf32, #tpu.memory_space<hbm>> -> memref<8192x256xf32, #tpu.memory_space<hbm>>
    tpu.enqueue_indirect_dma source(%dma_start3A_4 : memref<8192x256xf32, #tpu.memory_space<hbm>>) target(%arg6 : memref<256x256xf32, #tpu.memory_space<vmem>>) offsets(%arg5 : memref<256xi32, #tpu.memory_space<vmem>>) semaphore(%arg7 : memref<!tpu.dma_semaphore, #tpu.memory_space<semaphore_mem>>)
    %dma_wait3A = arith.constant 0 : i32
    %dma_wait3A_5 = arith.constant 0 : i32
    %dma_wait3A_6 = tpu.memref_slice %arg2[%dma_wait3A, %dma_wait3A_5] : memref<8192x256xf32, #tpu.memory_space<hbm>> -> memref<8192x256xf32, #tpu.memory_space<hbm>>
    tpu.wait_indirect_dma semaphore(%arg7 : memref<!tpu.dma_semaphore, #tpu.memory_space<semaphore_mem>>) src(%dma_wait3A_6 : memref<8192x256xf32, #tpu.memory_space<hbm>>) dst(%arg6 : memref<256x256xf32, #tpu.memory_space<vmem>>)
    "tpu.region"() ({
      %run_scoped3A = tpu.sem_alloc : memref<!tpu.dma_semaphore, #tpu.memory_space<semaphore_mem>>
      %dma_start3A_7 = arith.constant 0 : i32
      %dma_start3A_8 = tpu.memref_slice %arg4[%mul3A_2, %dma_start3A_7] : memref<8192x256xf32, #tpu.memory_space<hbm>> -> memref<256x256xf32, #tpu.memory_space<hbm>>
      %dma_start3A_9 = arith.constant 0 : i32
      %dma_start3A_10 = tpu.memref_slice %arg4[%mul3A_2, %dma_start3A_9] : memref<8192x256xf32, #tpu.memory_space<hbm>> -> memref<256x256xf32, #tpu.memory_space<hbm>>
      tpu.enqueue_dma source(%arg6 : memref<256x256xf32, #tpu.memory_space<vmem>>) target(%dma_start3A_10 : memref<256x256xf32, #tpu.memory_space<hbm>>) target_semaphore(%run_scoped3A : memref<!tpu.dma_semaphore, #tpu.memory_space<semaphore_mem>>)
      %dma_wait3A_11 = arith.constant 0 : i32
      %dma_wait3A_12 = tpu.memref_slice %arg4[%mul3A_2, %dma_wait3A_11] : memref<8192x256xf32, #tpu.memory_space<hbm>> -> memref<256x256xf32, #tpu.memory_space<hbm>>
      %dma_wait3A_13 = arith.constant 0 : i32
      %dma_wait3A_14 = tpu.memref_slice %arg4[%mul3A_2, %dma_wait3A_13] : memref<8192x256xf32, #tpu.memory_space<hbm>> -> memref<256x256xf32, #tpu.memory_space<hbm>>
      tpu.wait_dma2 semaphore(%run_scoped3A : memref<!tpu.dma_semaphore, #tpu.memory_space<semaphore_mem>>) src(%arg6 : memref<256x256xf32, #tpu.memory_space<vmem>>) dst(%dma_wait3A_14 : memref<256x256xf32, #tpu.memory_space<hbm>>)
      tpu.yield
    }) : () -> ()
    return
  }
}

module attributes {stable_mosaic.version = 14 : i64} {
  func.func @_argmin_body(%arg0: i32, %arg1: memref<1024x256xf32, #tpu.memory_space<vmem>>, %arg2: memref<256x8192xf32, #tpu.memory_space<vmem>>, %arg3: memref<1x1x1024xi32, #tpu.memory_space<vmem>>, %arg4: memref<8192x256xf32, #tpu.memory_space<vmem>>, %arg5: memref<1x8192xf32, #tpu.memory_space<vmem>>) attributes {dimension_semantics = [#tpu.dimension_semantics<arbitrary>], iteration_bounds = array<i64: 8>, scalar_prefetch = 0 : i64, scratch_operands = 1 : i64, tpu.core_type = #tpu.core_type<tc>, window_params = [{transform_indices = @transform_0, window_bounds = array<i64: 1024, 256>}, {pipeline_mode = #tpu.pipeline_mode<synchronous>, transform_indices = @transform_1, window_bounds = array<i64: 256, 8192>}, {transform_indices = @transform_2, window_bounds = array<i64: 1, 1, 1024>}, {pipeline_mode = #tpu.pipeline_mode<synchronous>, transform_indices = @transform_3, window_bounds = array<i64: 8192, 256>}]} {
    %eq3A = arith.constant 0 : i32
    %eq3A_0 = arith.cmpi eq, %arg0, %eq3A : i32
    %convert_element_type3A = arith.extui %eq3A_0 : i1 to i32
    %cond3A = arith.constant 0 : i32
    %cond3A_1 = arith.cmpi ne, %convert_element_type3A, %cond3A : i32
    scf.if %cond3A_1 {
      %get3A_736 = arith.constant 0 : index
      %get3A_737 = arith.constant 0 : index
      %get3A_738 = vector.load %arg2[%get3A_736, %get3A_737] : memref<256x8192xf32, #tpu.memory_space<vmem>>, vector<256x8192xf32>
      %mul3A_739 = arith.mulf %get3A_738, %get3A_738 : vector<256x8192xf32>
      %reduce_sum3A_740 = arith.constant dense<0.000000e+00> : vector<8192xf32>
      %reduce_sum3A_741 = vector.multi_reduction <add>, %mul3A_739, %reduce_sum3A_740 [0] : vector<256x8192xf32> to vector<8192xf32>
      %broadcast_in_dim3A_742 = vector.shape_cast %reduce_sum3A_741 : vector<8192xf32> to vector<1x8192xf32>
      %swap3A_743 = arith.constant 0 : index
      %swap3A_744 = arith.constant 0 : index
      %swap3A_745 = vector.load %arg5[%swap3A_743, %swap3A_744] : memref<1x8192xf32, #tpu.memory_space<vmem>>, vector<1x8192xf32>
      tpu.vector_store %arg5[%swap3A_743, %swap3A_744], %broadcast_in_dim3A_742 {strides = array<i32>} : memref<1x8192xf32, #tpu.memory_space<vmem>>, vector<1x8192xf32>,
      %transpose3A_746 = tpu.transpose %get3A_738, [1, 0] : vector<256x8192xf32> -> vector<8192x256xf32>
      %swap3A_747 = arith.constant 0 : index
      %swap3A_748 = arith.constant 0 : index
      %swap3A_749 = vector.load %arg4[%swap3A_747, %swap3A_748] : memref<8192x256xf32, #tpu.memory_space<vmem>>, vector<8192x256xf32>
      tpu.vector_store %arg4[%swap3A_747, %swap3A_748], %transpose3A_746 {strides = array<i32>} : memref<8192x256xf32, #tpu.memory_space<vmem>>, vector<8192x256xf32>,
    } else {
    }
    %get3A = arith.constant 0 : index
    %get3A_2 = arith.constant 0 : index
    %get3A_3 = vector.load %arg1[%get3A, %get3A_2] : memref<1024x256xf32, #tpu.memory_space<vmem>>, vector<1024x256xf32>
    %mul3A = arith.constant -2.000000e+00 : f32
    %mul3A_4 = vector.broadcast %mul3A : f32 to vector<1024x256xf32>
    %mul3A_5 = arith.mulf %get3A_3, %mul3A_4 : vector<1024x256xf32>
    %get3A_6 = arith.constant 0 : index
    %get3A_7 = arith.constant 0 : index
    %get3A_8 = vector.load %arg2[%get3A_6, %get3A_7] : memref<256x8192xf32, #tpu.memory_space<vmem>>, vector<256x8192xf32>
    %dot_general3A = arith.constant dense<0.000000e+00> : vector<1024x8192xf32>
    %dot_general3A_9 = tpu.matmul %mul3A_5, %get3A_8, %dot_general3A {dimension_numbers = #tpu.dot_dimension_numbers<[1], [0], [0], [1], [0, 0, 1, 1], [], []>, transpose_lhs_hint = false} : vector<1024x256xf32>, vector<256x8192xf32>, vector<1024x8192xf32> -> vector<1024x8192xf32>
    %mul3A_10 = arith.mulf %get3A_3, %get3A_3 : vector<1024x256xf32>
    %reduce_sum3A = arith.constant dense<0.000000e+00> : vector<1024xf32>
    %reduce_sum3A_11 = vector.multi_reduction <add>, %mul3A_10, %reduce_sum3A [1] : vector<1024x256xf32> to vector<1024xf32>
    %broadcast_in_dim3A = vector.shape_cast %reduce_sum3A_11 : vector<1024xf32> to vector<1024x1xf32>
    %get3A_12 = arith.constant 0 : index
    %get3A_13 = arith.constant 0 : index
    %get3A_14 = vector.load %arg5[%get3A_12, %get3A_13] : memref<1x8192xf32, #tpu.memory_space<vmem>>, vector<1x8192xf32>
    %broadcast_in_dim3A_15 = arith.constant 0x7F800000 : f32
    %broadcast_in_dim3A_16 = vector.broadcast %broadcast_in_dim3A_15 : f32 to vector<1024x128xf32>
    %broadcast_in_dim3A_17 = arith.constant 0.000000e+00 : f32
    %broadcast_in_dim3A_18 = vector.broadcast %broadcast_in_dim3A_17 : f32 to vector<1024x128xf32>
    %slice3A = vector.extract_strided_slice %get3A_14 {offsets = [0, 0], sizes = [1, 128], strides = [1, 1]} : vector<1x8192xf32> to vector<1x128xf32>
    %add3A = vector.broadcast %broadcast_in_dim3A : vector<1024x1xf32> to vector<1024x128xf32>
    %add3A_19 = vector.broadcast %slice3A : vector<1x128xf32> to vector<1024x128xf32>
    %add3A_20 = arith.addf %add3A, %add3A_19 : vector<1024x128xf32>
    %slice3A_21 = vector.extract_strided_slice %dot_general3A_9 {offsets = [0, 0], sizes = [1024, 128], strides = [1, 1]} : vector<1024x8192xf32> to vector<1024x128xf32>
    %add3A_22 = arith.addf %add3A_20, %slice3A_21 : vector<1024x128xf32>
    %lt3A = arith.cmpf olt, %add3A_22, %broadcast_in_dim3A_16 : vector<1024x128xf32>
    %min3A = arith.minimumf %broadcast_in_dim3A_16, %add3A_22 : vector<1024x128xf32>
    %jit3A = arith.constant 0.000000e+00 : f32
    %broadcast_in_dim3A_23 = vector.broadcast %jit3A : f32 to vector<1024x128xf32>
    %select_n3A = arith.select %lt3A, %broadcast_in_dim3A_23, %broadcast_in_dim3A_18 : vector<1024x128xi1>, vector<1024x128xf32>
    %slice3A_24 = vector.extract_strided_slice %get3A_14 {offsets = [0, 128], sizes = [1, 128], strides = [1, 1]} : vector<1x8192xf32> to vector<1x128xf32>
    %add3A_25 = vector.broadcast %broadcast_in_dim3A : vector<1024x1xf32> to vector<1024x128xf32>
    %add3A_26 = vector.broadcast %slice3A_24 : vector<1x128xf32> to vector<1024x128xf32>
    %add3A_27 = arith.addf %add3A_25, %add3A_26 : vector<1024x128xf32>
    %slice3A_28 = vector.extract_strided_slice %dot_general3A_9 {offsets = [0, 128], sizes = [1024, 128], strides = [1, 1]} : vector<1024x8192xf32> to vector<1024x128xf32>
    %add3A_29 = arith.addf %add3A_27, %slice3A_28 : vector<1024x128xf32>
    %lt3A_30 = arith.cmpf olt, %add3A_29, %min3A : vector<1024x128xf32>
    %min3A_31 = arith.minimumf %min3A, %add3A_29 : vector<1024x128xf32>
    %jit3A_32 = arith.constant 1.000000e+00 : f32
    %broadcast_in_dim3A_33 = vector.broadcast %jit3A_32 : f32 to vector<1024x128xf32>
    %select_n3A_34 = arith.select %lt3A_30, %broadcast_in_dim3A_33, %select_n3A : vector<1024x128xi1>, vector<1024x128xf32>
    %slice3A_35 = vector.extract_strided_slice %get3A_14 {offsets = [0, 256], sizes = [1, 128], strides = [1, 1]} : vector<1x8192xf32> to vector<1x128xf32>
    %add3A_36 = vector.broadcast %broadcast_in_dim3A : vector<1024x1xf32> to vector<1024x128xf32>
    %add3A_37 = vector.broadcast %slice3A_35 : vector<1x128xf32> to vector<1024x128xf32>
    %add3A_38 = arith.addf %add3A_36, %add3A_37 : vector<1024x128xf32>
    %slice3A_39 = vector.extract_strided_slice %dot_general3A_9 {offsets = [0, 256], sizes = [1024, 128], strides = [1, 1]} : vector<1024x8192xf32> to vector<1024x128xf32>
    %add3A_40 = arith.addf %add3A_38, %slice3A_39 : vector<1024x128xf32>
    %lt3A_41 = arith.cmpf olt, %add3A_40, %min3A_31 : vector<1024x128xf32>
    %min3A_42 = arith.minimumf %min3A_31, %add3A_40 : vector<1024x128xf32>
    %jit3A_43 = arith.constant 2.000000e+00 : f32
    %broadcast_in_dim3A_44 = vector.broadcast %jit3A_43 : f32 to vector<1024x128xf32>
    %select_n3A_45 = arith.select %lt3A_41, %broadcast_in_dim3A_44, %select_n3A_34 : vector<1024x128xi1>, vector<1024x128xf32>
    %slice3A_46 = vector.extract_strided_slice %get3A_14 {offsets = [0, 384], sizes = [1, 128], strides = [1, 1]} : vector<1x8192xf32> to vector<1x128xf32>
    %add3A_47 = vector.broadcast %broadcast_in_dim3A : vector<1024x1xf32> to vector<1024x128xf32>
    %add3A_48 = vector.broadcast %slice3A_46 : vector<1x128xf32> to vector<1024x128xf32>
    %add3A_49 = arith.addf %add3A_47, %add3A_48 : vector<1024x128xf32>
    %slice3A_50 = vector.extract_strided_slice %dot_general3A_9 {offsets = [0, 384], sizes = [1024, 128], strides = [1, 1]} : vector<1024x8192xf32> to vector<1024x128xf32>
    %add3A_51 = arith.addf %add3A_49, %slice3A_50 : vector<1024x128xf32>
    %lt3A_52 = arith.cmpf olt, %add3A_51, %min3A_42 : vector<1024x128xf32>
    %min3A_53 = arith.minimumf %min3A_42, %add3A_51 : vector<1024x128xf32>
    %jit3A_54 = arith.constant 3.000000e+00 : f32
    %broadcast_in_dim3A_55 = vector.broadcast %jit3A_54 : f32 to vector<1024x128xf32>
    %select_n3A_56 = arith.select %lt3A_52, %broadcast_in_dim3A_55, %select_n3A_45 : vector<1024x128xi1>, vector<1024x128xf32>
    %slice3A_57 = vector.extract_strided_slice %get3A_14 {offsets = [0, 512], sizes = [1, 128], strides = [1, 1]} : vector<1x8192xf32> to vector<1x128xf32>
    %add3A_58 = vector.broadcast %broadcast_in_dim3A : vector<1024x1xf32> to vector<1024x128xf32>
    %add3A_59 = vector.broadcast %slice3A_57 : vector<1x128xf32> to vector<1024x128xf32>
    %add3A_60 = arith.addf %add3A_58, %add3A_59 : vector<1024x128xf32>
    %slice3A_61 = vector.extract_strided_slice %dot_general3A_9 {offsets = [0, 512], sizes = [1024, 128], strides = [1, 1]} : vector<1024x8192xf32> to vector<1024x128xf32>
    %add3A_62 = arith.addf %add3A_60, %slice3A_61 : vector<1024x128xf32>
    %lt3A_63 = arith.cmpf olt, %add3A_62, %min3A_53 : vector<1024x128xf32>
    %min3A_64 = arith.minimumf %min3A_53, %add3A_62 : vector<1024x128xf32>
    %jit3A_65 = arith.constant 4.000000e+00 : f32
    %broadcast_in_dim3A_66 = vector.broadcast %jit3A_65 : f32 to vector<1024x128xf32>
    %select_n3A_67 = arith.select %lt3A_63, %broadcast_in_dim3A_66, %select_n3A_56 : vector<1024x128xi1>, vector<1024x128xf32>
    %slice3A_68 = vector.extract_strided_slice %get3A_14 {offsets = [0, 640], sizes = [1, 128], strides = [1, 1]} : vector<1x8192xf32> to vector<1x128xf32>
    %add3A_69 = vector.broadcast %broadcast_in_dim3A : vector<1024x1xf32> to vector<1024x128xf32>
    %add3A_70 = vector.broadcast %slice3A_68 : vector<1x128xf32> to vector<1024x128xf32>
    %add3A_71 = arith.addf %add3A_69, %add3A_70 : vector<1024x128xf32>
    %slice3A_72 = vector.extract_strided_slice %dot_general3A_9 {offsets = [0, 640], sizes = [1024, 128], strides = [1, 1]} : vector<1024x8192xf32> to vector<1024x128xf32>
    %add3A_73 = arith.addf %add3A_71, %slice3A_72 : vector<1024x128xf32>
    %lt3A_74 = arith.cmpf olt, %add3A_73, %min3A_64 : vector<1024x128xf32>
    %min3A_75 = arith.minimumf %min3A_64, %add3A_73 : vector<1024x128xf32>
    %jit3A_76 = arith.constant 5.000000e+00 : f32
    %broadcast_in_dim3A_77 = vector.broadcast %jit3A_76 : f32 to vector<1024x128xf32>
    %select_n3A_78 = arith.select %lt3A_74, %broadcast_in_dim3A_77, %select_n3A_67 : vector<1024x128xi1>, vector<1024x128xf32>
    %slice3A_79 = vector.extract_strided_slice %get3A_14 {offsets = [0, 768], sizes = [1, 128], strides = [1, 1]} : vector<1x8192xf32> to vector<1x128xf32>
    %add3A_80 = vector.broadcast %broadcast_in_dim3A : vector<1024x1xf32> to vector<1024x128xf32>
    %add3A_81 = vector.broadcast %slice3A_79 : vector<1x128xf32> to vector<1024x128xf32>
    %add3A_82 = arith.addf %add3A_80, %add3A_81 : vector<1024x128xf32>
    %slice3A_83 = vector.extract_strided_slice %dot_general3A_9 {offsets = [0, 768], sizes = [1024, 128], strides = [1, 1]} : vector<1024x8192xf32> to vector<1024x128xf32>
    %add3A_84 = arith.addf %add3A_82, %slice3A_83 : vector<1024x128xf32>
    %lt3A_85 = arith.cmpf olt, %add3A_84, %min3A_75 : vector<1024x128xf32>
    %min3A_86 = arith.minimumf %min3A_75, %add3A_84 : vector<1024x128xf32>
    %jit3A_87 = arith.constant 6.000000e+00 : f32
    %broadcast_in_dim3A_88 = vector.broadcast %jit3A_87 : f32 to vector<1024x128xf32>
    %select_n3A_89 = arith.select %lt3A_85, %broadcast_in_dim3A_88, %select_n3A_78 : vector<1024x128xi1>, vector<1024x128xf32>
    %slice3A_90 = vector.extract_strided_slice %get3A_14 {offsets = [0, 896], sizes = [1, 128], strides = [1, 1]} : vector<1x8192xf32> to vector<1x128xf32>
    %add3A_91 = vector.broadcast %broadcast_in_dim3A : vector<1024x1xf32> to vector<1024x128xf32>
    %add3A_92 = vector.broadcast %slice3A_90 : vector<1x128xf32> to vector<1024x128xf32>
    %add3A_93 = arith.addf %add3A_91, %add3A_92 : vector<1024x128xf32>
    %slice3A_94 = vector.extract_strided_slice %dot_general3A_9 {offsets = [0, 896], sizes = [1024, 128], strides = [1, 1]} : vector<1024x8192xf32> to vector<1024x128xf32>
    %add3A_95 = arith.addf %add3A_93, %slice3A_94 : vector<1024x128xf32>
    %lt3A_96 = arith.cmpf olt, %add3A_95, %min3A_86 : vector<1024x128xf32>
    %min3A_97 = arith.minimumf %min3A_86, %add3A_95 : vector<1024x128xf32>
    %jit3A_98 = arith.constant 7.000000e+00 : f32
    %broadcast_in_dim3A_99 = vector.broadcast %jit3A_98 : f32 to vector<1024x128xf32>
    %select_n3A_100 = arith.select %lt3A_96, %broadcast_in_dim3A_99, %select_n3A_89 : vector<1024x128xi1>, vector<1024x128xf32>
    %slice3A_101 = vector.extract_strided_slice %get3A_14 {offsets = [0, 1024], sizes = [1, 128], strides = [1, 1]} : vector<1x8192xf32> to vector<1x128xf32>
    %add3A_102 = vector.broadcast %broadcast_in_dim3A : vector<1024x1xf32> to vector<1024x128xf32>
    %add3A_103 = vector.broadcast %slice3A_101 : vector<1x128xf32> to vector<1024x128xf32>
    %add3A_104 = arith.addf %add3A_102, %add3A_103 : vector<1024x128xf32>
    %slice3A_105 = vector.extract_strided_slice %dot_general3A_9 {offsets = [0, 1024], sizes = [1024, 128], strides = [1, 1]} : vector<1024x8192xf32> to vector<1024x128xf32>
    %add3A_106 = arith.addf %add3A_104, %slice3A_105 : vector<1024x128xf32>
    %lt3A_107 = arith.cmpf olt, %add3A_106, %min3A_97 : vector<1024x128xf32>
    %min3A_108 = arith.minimumf %min3A_97, %add3A_106 : vector<1024x128xf32>
    %jit3A_109 = arith.constant 8.000000e+00 : f32
    %broadcast_in_dim3A_110 = vector.broadcast %jit3A_109 : f32 to vector<1024x128xf32>
    %select_n3A_111 = arith.select %lt3A_107, %broadcast_in_dim3A_110, %select_n3A_100 : vector<1024x128xi1>, vector<1024x128xf32>
    %slice3A_112 = vector.extract_strided_slice %get3A_14 {offsets = [0, 1152], sizes = [1, 128], strides = [1, 1]} : vector<1x8192xf32> to vector<1x128xf32>
    %add3A_113 = vector.broadcast %broadcast_in_dim3A : vector<1024x1xf32> to vector<1024x128xf32>
    %add3A_114 = vector.broadcast %slice3A_112 : vector<1x128xf32> to vector<1024x128xf32>
    %add3A_115 = arith.addf %add3A_113, %add3A_114 : vector<1024x128xf32>
    %slice3A_116 = vector.extract_strided_slice %dot_general3A_9 {offsets = [0, 1152], sizes = [1024, 128], strides = [1, 1]} : vector<1024x8192xf32> to vector<1024x128xf32>
    %add3A_117 = arith.addf %add3A_115, %slice3A_116 : vector<1024x128xf32>
    %lt3A_118 = arith.cmpf olt, %add3A_117, %min3A_108 : vector<1024x128xf32>
    %min3A_119 = arith.minimumf %min3A_108, %add3A_117 : vector<1024x128xf32>
    %jit3A_120 = arith.constant 9.000000e+00 : f32
    %broadcast_in_dim3A_121 = vector.broadcast %jit3A_120 : f32 to vector<1024x128xf32>
    %select_n3A_122 = arith.select %lt3A_118, %broadcast_in_dim3A_121, %select_n3A_111 : vector<1024x128xi1>, vector<1024x128xf32>
    %slice3A_123 = vector.extract_strided_slice %get3A_14 {offsets = [0, 1280], sizes = [1, 128], strides = [1, 1]} : vector<1x8192xf32> to vector<1x128xf32>
    %add3A_124 = vector.broadcast %broadcast_in_dim3A : vector<1024x1xf32> to vector<1024x128xf32>
    %add3A_125 = vector.broadcast %slice3A_123 : vector<1x128xf32> to vector<1024x128xf32>
    %add3A_126 = arith.addf %add3A_124, %add3A_125 : vector<1024x128xf32>
    %slice3A_127 = vector.extract_strided_slice %dot_general3A_9 {offsets = [0, 1280], sizes = [1024, 128], strides = [1, 1]} : vector<1024x8192xf32> to vector<1024x128xf32>
    %add3A_128 = arith.addf %add3A_126, %slice3A_127 : vector<1024x128xf32>
    %lt3A_129 = arith.cmpf olt, %add3A_128, %min3A_119 : vector<1024x128xf32>
    %min3A_130 = arith.minimumf %min3A_119, %add3A_128 : vector<1024x128xf32>
    %jit3A_131 = arith.constant 1.000000e+01 : f32
    %broadcast_in_dim3A_132 = vector.broadcast %jit3A_131 : f32 to vector<1024x128xf32>
    %select_n3A_133 = arith.select %lt3A_129, %broadcast_in_dim3A_132, %select_n3A_122 : vector<1024x128xi1>, vector<1024x128xf32>
    %slice3A_134 = vector.extract_strided_slice %get3A_14 {offsets = [0, 1408], sizes = [1, 128], strides = [1, 1]} : vector<1x8192xf32> to vector<1x128xf32>
    %add3A_135 = vector.broadcast %broadcast_in_dim3A : vector<1024x1xf32> to vector<1024x128xf32>
    %add3A_136 = vector.broadcast %slice3A_134 : vector<1x128xf32> to vector<1024x128xf32>
    %add3A_137 = arith.addf %add3A_135, %add3A_136 : vector<1024x128xf32>
    %slice3A_138 = vector.extract_strided_slice %dot_general3A_9 {offsets = [0, 1408], sizes = [1024, 128], strides = [1, 1]} : vector<1024x8192xf32> to vector<1024x128xf32>
    %add3A_139 = arith.addf %add3A_137, %slice3A_138 : vector<1024x128xf32>
    %lt3A_140 = arith.cmpf olt, %add3A_139, %min3A_130 : vector<1024x128xf32>
    %min3A_141 = arith.minimumf %min3A_130, %add3A_139 : vector<1024x128xf32>
    %jit3A_142 = arith.constant 1.100000e+01 : f32
    %broadcast_in_dim3A_143 = vector.broadcast %jit3A_142 : f32 to vector<1024x128xf32>
    %select_n3A_144 = arith.select %lt3A_140, %broadcast_in_dim3A_143, %select_n3A_133 : vector<1024x128xi1>, vector<1024x128xf32>
    %slice3A_145 = vector.extract_strided_slice %get3A_14 {offsets = [0, 1536], sizes = [1, 128], strides = [1, 1]} : vector<1x8192xf32> to vector<1x128xf32>
    %add3A_146 = vector.broadcast %broadcast_in_dim3A : vector<1024x1xf32> to vector<1024x128xf32>
    %add3A_147 = vector.broadcast %slice3A_145 : vector<1x128xf32> to vector<1024x128xf32>
    %add3A_148 = arith.addf %add3A_146, %add3A_147 : vector<1024x128xf32>
    %slice3A_149 = vector.extract_strided_slice %dot_general3A_9 {offsets = [0, 1536], sizes = [1024, 128], strides = [1, 1]} : vector<1024x8192xf32> to vector<1024x128xf32>
    %add3A_150 = arith.addf %add3A_148, %slice3A_149 : vector<1024x128xf32>
    %lt3A_151 = arith.cmpf olt, %add3A_150, %min3A_141 : vector<1024x128xf32>
    %min3A_152 = arith.minimumf %min3A_141, %add3A_150 : vector<1024x128xf32>
    %jit3A_153 = arith.constant 1.200000e+01 : f32
    %broadcast_in_dim3A_154 = vector.broadcast %jit3A_153 : f32 to vector<1024x128xf32>
    %select_n3A_155 = arith.select %lt3A_151, %broadcast_in_dim3A_154, %select_n3A_144 : vector<1024x128xi1>, vector<1024x128xf32>
    %slice3A_156 = vector.extract_strided_slice %get3A_14 {offsets = [0, 1664], sizes = [1, 128], strides = [1, 1]} : vector<1x8192xf32> to vector<1x128xf32>
    %add3A_157 = vector.broadcast %broadcast_in_dim3A : vector<1024x1xf32> to vector<1024x128xf32>
    %add3A_158 = vector.broadcast %slice3A_156 : vector<1x128xf32> to vector<1024x128xf32>
    %add3A_159 = arith.addf %add3A_157, %add3A_158 : vector<1024x128xf32>
    %slice3A_160 = vector.extract_strided_slice %dot_general3A_9 {offsets = [0, 1664], sizes = [1024, 128], strides = [1, 1]} : vector<1024x8192xf32> to vector<1024x128xf32>
    %add3A_161 = arith.addf %add3A_159, %slice3A_160 : vector<1024x128xf32>
    %lt3A_162 = arith.cmpf olt, %add3A_161, %min3A_152 : vector<1024x128xf32>
    %min3A_163 = arith.minimumf %min3A_152, %add3A_161 : vector<1024x128xf32>
    %jit3A_164 = arith.constant 1.300000e+01 : f32
    %broadcast_in_dim3A_165 = vector.broadcast %jit3A_164 : f32 to vector<1024x128xf32>
    %select_n3A_166 = arith.select %lt3A_162, %broadcast_in_dim3A_165, %select_n3A_155 : vector<1024x128xi1>, vector<1024x128xf32>
    %slice3A_167 = vector.extract_strided_slice %get3A_14 {offsets = [0, 1792], sizes = [1, 128], strides = [1, 1]} : vector<1x8192xf32> to vector<1x128xf32>
    %add3A_168 = vector.broadcast %broadcast_in_dim3A : vector<1024x1xf32> to vector<1024x128xf32>
    %add3A_169 = vector.broadcast %slice3A_167 : vector<1x128xf32> to vector<1024x128xf32>
    %add3A_170 = arith.addf %add3A_168, %add3A_169 : vector<1024x128xf32>
    %slice3A_171 = vector.extract_strided_slice %dot_general3A_9 {offsets = [0, 1792], sizes = [1024, 128], strides = [1, 1]} : vector<1024x8192xf32> to vector<1024x128xf32>
    %add3A_172 = arith.addf %add3A_170, %slice3A_171 : vector<1024x128xf32>
    %lt3A_173 = arith.cmpf olt, %add3A_172, %min3A_163 : vector<1024x128xf32>
    %min3A_174 = arith.minimumf %min3A_163, %add3A_172 : vector<1024x128xf32>
    %jit3A_175 = arith.constant 1.400000e+01 : f32
    %broadcast_in_dim3A_176 = vector.broadcast %jit3A_175 : f32 to vector<1024x128xf32>
    %select_n3A_177 = arith.select %lt3A_173, %broadcast_in_dim3A_176, %select_n3A_166 : vector<1024x128xi1>, vector<1024x128xf32>
    %slice3A_178 = vector.extract_strided_slice %get3A_14 {offsets = [0, 1920], sizes = [1, 128], strides = [1, 1]} : vector<1x8192xf32> to vector<1x128xf32>
    %add3A_179 = vector.broadcast %broadcast_in_dim3A : vector<1024x1xf32> to vector<1024x128xf32>
    %add3A_180 = vector.broadcast %slice3A_178 : vector<1x128xf32> to vector<1024x128xf32>
    %add3A_181 = arith.addf %add3A_179, %add3A_180 : vector<1024x128xf32>
    %slice3A_182 = vector.extract_strided_slice %dot_general3A_9 {offsets = [0, 1920], sizes = [1024, 128], strides = [1, 1]} : vector<1024x8192xf32> to vector<1024x128xf32>
    %add3A_183 = arith.addf %add3A_181, %slice3A_182 : vector<1024x128xf32>
    %lt3A_184 = arith.cmpf olt, %add3A_183, %min3A_174 : vector<1024x128xf32>
    %min3A_185 = arith.minimumf %min3A_174, %add3A_183 : vector<1024x128xf32>
    %jit3A_186 = arith.constant 1.500000e+01 : f32
    %broadcast_in_dim3A_187 = vector.broadcast %jit3A_186 : f32 to vector<1024x128xf32>
    %select_n3A_188 = arith.select %lt3A_184, %broadcast_in_dim3A_187, %select_n3A_177 : vector<1024x128xi1>, vector<1024x128xf32>
    %slice3A_189 = vector.extract_strided_slice %get3A_14 {offsets = [0, 2048], sizes = [1, 128], strides = [1, 1]} : vector<1x8192xf32> to vector<1x128xf32>
    %add3A_190 = vector.broadcast %broadcast_in_dim3A : vector<1024x1xf32> to vector<1024x128xf32>
    %add3A_191 = vector.broadcast %slice3A_189 : vector<1x128xf32> to vector<1024x128xf32>
    %add3A_192 = arith.addf %add3A_190, %add3A_191 : vector<1024x128xf32>
    %slice3A_193 = vector.extract_strided_slice %dot_general3A_9 {offsets = [0, 2048], sizes = [1024, 128], strides = [1, 1]} : vector<1024x8192xf32> to vector<1024x128xf32>
    %add3A_194 = arith.addf %add3A_192, %slice3A_193 : vector<1024x128xf32>
    %lt3A_195 = arith.cmpf olt, %add3A_194, %min3A_185 : vector<1024x128xf32>
    %min3A_196 = arith.minimumf %min3A_185, %add3A_194 : vector<1024x128xf32>
    %jit3A_197 = arith.constant 1.600000e+01 : f32
    %broadcast_in_dim3A_198 = vector.broadcast %jit3A_197 : f32 to vector<1024x128xf32>
    %select_n3A_199 = arith.select %lt3A_195, %broadcast_in_dim3A_198, %select_n3A_188 : vector<1024x128xi1>, vector<1024x128xf32>
    %slice3A_200 = vector.extract_strided_slice %get3A_14 {offsets = [0, 2176], sizes = [1, 128], strides = [1, 1]} : vector<1x8192xf32> to vector<1x128xf32>
    %add3A_201 = vector.broadcast %broadcast_in_dim3A : vector<1024x1xf32> to vector<1024x128xf32>
    %add3A_202 = vector.broadcast %slice3A_200 : vector<1x128xf32> to vector<1024x128xf32>
    %add3A_203 = arith.addf %add3A_201, %add3A_202 : vector<1024x128xf32>
    %slice3A_204 = vector.extract_strided_slice %dot_general3A_9 {offsets = [0, 2176], sizes = [1024, 128], strides = [1, 1]} : vector<1024x8192xf32> to vector<1024x128xf32>
    %add3A_205 = arith.addf %add3A_203, %slice3A_204 : vector<1024x128xf32>
    %lt3A_206 = arith.cmpf olt, %add3A_205, %min3A_196 : vector<1024x128xf32>
    %min3A_207 = arith.minimumf %min3A_196, %add3A_205 : vector<1024x128xf32>
    %jit3A_208 = arith.constant 1.700000e+01 : f32
    %broadcast_in_dim3A_209 = vector.broadcast %jit3A_208 : f32 to vector<1024x128xf32>
    %select_n3A_210 = arith.select %lt3A_206, %broadcast_in_dim3A_209, %select_n3A_199 : vector<1024x128xi1>, vector<1024x128xf32>
    %slice3A_211 = vector.extract_strided_slice %get3A_14 {offsets = [0, 2304], sizes = [1, 128], strides = [1, 1]} : vector<1x8192xf32> to vector<1x128xf32>
    %add3A_212 = vector.broadcast %broadcast_in_dim3A : vector<1024x1xf32> to vector<1024x128xf32>
    %add3A_213 = vector.broadcast %slice3A_211 : vector<1x128xf32> to vector<1024x128xf32>
    %add3A_214 = arith.addf %add3A_212, %add3A_213 : vector<1024x128xf32>
    %slice3A_215 = vector.extract_strided_slice %dot_general3A_9 {offsets = [0, 2304], sizes = [1024, 128], strides = [1, 1]} : vector<1024x8192xf32> to vector<1024x128xf32>
    %add3A_216 = arith.addf %add3A_214, %slice3A_215 : vector<1024x128xf32>
    %lt3A_217 = arith.cmpf olt, %add3A_216, %min3A_207 : vector<1024x128xf32>
    %min3A_218 = arith.minimumf %min3A_207, %add3A_216 : vector<1024x128xf32>
    %jit3A_219 = arith.constant 1.800000e+01 : f32
    %broadcast_in_dim3A_220 = vector.broadcast %jit3A_219 : f32 to vector<1024x128xf32>
    %select_n3A_221 = arith.select %lt3A_217, %broadcast_in_dim3A_220, %select_n3A_210 : vector<1024x128xi1>, vector<1024x128xf32>
    %slice3A_222 = vector.extract_strided_slice %get3A_14 {offsets = [0, 2432], sizes = [1, 128], strides = [1, 1]} : vector<1x8192xf32> to vector<1x128xf32>
    %add3A_223 = vector.broadcast %broadcast_in_dim3A : vector<1024x1xf32> to vector<1024x128xf32>
    %add3A_224 = vector.broadcast %slice3A_222 : vector<1x128xf32> to vector<1024x128xf32>
    %add3A_225 = arith.addf %add3A_223, %add3A_224 : vector<1024x128xf32>
    %slice3A_226 = vector.extract_strided_slice %dot_general3A_9 {offsets = [0, 2432], sizes = [1024, 128], strides = [1, 1]} : vector<1024x8192xf32> to vector<1024x128xf32>
    %add3A_227 = arith.addf %add3A_225, %slice3A_226 : vector<1024x128xf32>
    %lt3A_228 = arith.cmpf olt, %add3A_227, %min3A_218 : vector<1024x128xf32>
    %min3A_229 = arith.minimumf %min3A_218, %add3A_227 : vector<1024x128xf32>
    %jit3A_230 = arith.constant 1.900000e+01 : f32
    %broadcast_in_dim3A_231 = vector.broadcast %jit3A_230 : f32 to vector<1024x128xf32>
    %select_n3A_232 = arith.select %lt3A_228, %broadcast_in_dim3A_231, %select_n3A_221 : vector<1024x128xi1>, vector<1024x128xf32>
    %slice3A_233 = vector.extract_strided_slice %get3A_14 {offsets = [0, 2560], sizes = [1, 128], strides = [1, 1]} : vector<1x8192xf32> to vector<1x128xf32>
    %add3A_234 = vector.broadcast %broadcast_in_dim3A : vector<1024x1xf32> to vector<1024x128xf32>
    %add3A_235 = vector.broadcast %slice3A_233 : vector<1x128xf32> to vector<1024x128xf32>
    %add3A_236 = arith.addf %add3A_234, %add3A_235 : vector<1024x128xf32>
    %slice3A_237 = vector.extract_strided_slice %dot_general3A_9 {offsets = [0, 2560], sizes = [1024, 128], strides = [1, 1]} : vector<1024x8192xf32> to vector<1024x128xf32>
    %add3A_238 = arith.addf %add3A_236, %slice3A_237 : vector<1024x128xf32>
    %lt3A_239 = arith.cmpf olt, %add3A_238, %min3A_229 : vector<1024x128xf32>
    %min3A_240 = arith.minimumf %min3A_229, %add3A_238 : vector<1024x128xf32>
    %jit3A_241 = arith.constant 2.000000e+01 : f32
    %broadcast_in_dim3A_242 = vector.broadcast %jit3A_241 : f32 to vector<1024x128xf32>
    %select_n3A_243 = arith.select %lt3A_239, %broadcast_in_dim3A_242, %select_n3A_232 : vector<1024x128xi1>, vector<1024x128xf32>
    %slice3A_244 = vector.extract_strided_slice %get3A_14 {offsets = [0, 2688], sizes = [1, 128], strides = [1, 1]} : vector<1x8192xf32> to vector<1x128xf32>
    %add3A_245 = vector.broadcast %broadcast_in_dim3A : vector<1024x1xf32> to vector<1024x128xf32>
    %add3A_246 = vector.broadcast %slice3A_244 : vector<1x128xf32> to vector<1024x128xf32>
    %add3A_247 = arith.addf %add3A_245, %add3A_246 : vector<1024x128xf32>
    %slice3A_248 = vector.extract_strided_slice %dot_general3A_9 {offsets = [0, 2688], sizes = [1024, 128], strides = [1, 1]} : vector<1024x8192xf32> to vector<1024x128xf32>
    %add3A_249 = arith.addf %add3A_247, %slice3A_248 : vector<1024x128xf32>
    %lt3A_250 = arith.cmpf olt, %add3A_249, %min3A_240 : vector<1024x128xf32>
    %min3A_251 = arith.minimumf %min3A_240, %add3A_249 : vector<1024x128xf32>
    %jit3A_252 = arith.constant 2.100000e+01 : f32
    %broadcast_in_dim3A_253 = vector.broadcast %jit3A_252 : f32 to vector<1024x128xf32>
    %select_n3A_254 = arith.select %lt3A_250, %broadcast_in_dim3A_253, %select_n3A_243 : vector<1024x128xi1>, vector<1024x128xf32>
    %slice3A_255 = vector.extract_strided_slice %get3A_14 {offsets = [0, 2816], sizes = [1, 128], strides = [1, 1]} : vector<1x8192xf32> to vector<1x128xf32>
    %add3A_256 = vector.broadcast %broadcast_in_dim3A : vector<1024x1xf32> to vector<1024x128xf32>
    %add3A_257 = vector.broadcast %slice3A_255 : vector<1x128xf32> to vector<1024x128xf32>
    %add3A_258 = arith.addf %add3A_256, %add3A_257 : vector<1024x128xf32>
    %slice3A_259 = vector.extract_strided_slice %dot_general3A_9 {offsets = [0, 2816], sizes = [1024, 128], strides = [1, 1]} : vector<1024x8192xf32> to vector<1024x128xf32>
    %add3A_260 = arith.addf %add3A_258, %slice3A_259 : vector<1024x128xf32>
    %lt3A_261 = arith.cmpf olt, %add3A_260, %min3A_251 : vector<1024x128xf32>
    %min3A_262 = arith.minimumf %min3A_251, %add3A_260 : vector<1024x128xf32>
    %jit3A_263 = arith.constant 2.200000e+01 : f32
    %broadcast_in_dim3A_264 = vector.broadcast %jit3A_263 : f32 to vector<1024x128xf32>
    %select_n3A_265 = arith.select %lt3A_261, %broadcast_in_dim3A_264, %select_n3A_254 : vector<1024x128xi1>, vector<1024x128xf32>
    %slice3A_266 = vector.extract_strided_slice %get3A_14 {offsets = [0, 2944], sizes = [1, 128], strides = [1, 1]} : vector<1x8192xf32> to vector<1x128xf32>
    %add3A_267 = vector.broadcast %broadcast_in_dim3A : vector<1024x1xf32> to vector<1024x128xf32>
    %add3A_268 = vector.broadcast %slice3A_266 : vector<1x128xf32> to vector<1024x128xf32>
    %add3A_269 = arith.addf %add3A_267, %add3A_268 : vector<1024x128xf32>
    %slice3A_270 = vector.extract_strided_slice %dot_general3A_9 {offsets = [0, 2944], sizes = [1024, 128], strides = [1, 1]} : vector<1024x8192xf32> to vector<1024x128xf32>
    %add3A_271 = arith.addf %add3A_269, %slice3A_270 : vector<1024x128xf32>
    %lt3A_272 = arith.cmpf olt, %add3A_271, %min3A_262 : vector<1024x128xf32>
    %min3A_273 = arith.minimumf %min3A_262, %add3A_271 : vector<1024x128xf32>
    %jit3A_274 = arith.constant 2.300000e+01 : f32
    %broadcast_in_dim3A_275 = vector.broadcast %jit3A_274 : f32 to vector<1024x128xf32>
    %select_n3A_276 = arith.select %lt3A_272, %broadcast_in_dim3A_275, %select_n3A_265 : vector<1024x128xi1>, vector<1024x128xf32>
    %slice3A_277 = vector.extract_strided_slice %get3A_14 {offsets = [0, 3072], sizes = [1, 128], strides = [1, 1]} : vector<1x8192xf32> to vector<1x128xf32>
    %add3A_278 = vector.broadcast %broadcast_in_dim3A : vector<1024x1xf32> to vector<1024x128xf32>
    %add3A_279 = vector.broadcast %slice3A_277 : vector<1x128xf32> to vector<1024x128xf32>
    %add3A_280 = arith.addf %add3A_278, %add3A_279 : vector<1024x128xf32>
    %slice3A_281 = vector.extract_strided_slice %dot_general3A_9 {offsets = [0, 3072], sizes = [1024, 128], strides = [1, 1]} : vector<1024x8192xf32> to vector<1024x128xf32>
    %add3A_282 = arith.addf %add3A_280, %slice3A_281 : vector<1024x128xf32>
    %lt3A_283 = arith.cmpf olt, %add3A_282, %min3A_273 : vector<1024x128xf32>
    %min3A_284 = arith.minimumf %min3A_273, %add3A_282 : vector<1024x128xf32>
    %jit3A_285 = arith.constant 2.400000e+01 : f32
    %broadcast_in_dim3A_286 = vector.broadcast %jit3A_285 : f32 to vector<1024x128xf32>
    %select_n3A_287 = arith.select %lt3A_283, %broadcast_in_dim3A_286, %select_n3A_276 : vector<1024x128xi1>, vector<1024x128xf32>
    %slice3A_288 = vector.extract_strided_slice %get3A_14 {offsets = [0, 3200], sizes = [1, 128], strides = [1, 1]} : vector<1x8192xf32> to vector<1x128xf32>
    %add3A_289 = vector.broadcast %broadcast_in_dim3A : vector<1024x1xf32> to vector<1024x128xf32>
    %add3A_290 = vector.broadcast %slice3A_288 : vector<1x128xf32> to vector<1024x128xf32>
    %add3A_291 = arith.addf %add3A_289, %add3A_290 : vector<1024x128xf32>
    %slice3A_292 = vector.extract_strided_slice %dot_general3A_9 {offsets = [0, 3200], sizes = [1024, 128], strides = [1, 1]} : vector<1024x8192xf32> to vector<1024x128xf32>
    %add3A_293 = arith.addf %add3A_291, %slice3A_292 : vector<1024x128xf32>
    %lt3A_294 = arith.cmpf olt, %add3A_293, %min3A_284 : vector<1024x128xf32>
    %min3A_295 = arith.minimumf %min3A_284, %add3A_293 : vector<1024x128xf32>
    %jit3A_296 = arith.constant 2.500000e+01 : f32
    %broadcast_in_dim3A_297 = vector.broadcast %jit3A_296 : f32 to vector<1024x128xf32>
    %select_n3A_298 = arith.select %lt3A_294, %broadcast_in_dim3A_297, %select_n3A_287 : vector<1024x128xi1>, vector<1024x128xf32>
    %slice3A_299 = vector.extract_strided_slice %get3A_14 {offsets = [0, 3328], sizes = [1, 128], strides = [1, 1]} : vector<1x8192xf32> to vector<1x128xf32>
    %add3A_300 = vector.broadcast %broadcast_in_dim3A : vector<1024x1xf32> to vector<1024x128xf32>
    %add3A_301 = vector.broadcast %slice3A_299 : vector<1x128xf32> to vector<1024x128xf32>
    %add3A_302 = arith.addf %add3A_300, %add3A_301 : vector<1024x128xf32>
    %slice3A_303 = vector.extract_strided_slice %dot_general3A_9 {offsets = [0, 3328], sizes = [1024, 128], strides = [1, 1]} : vector<1024x8192xf32> to vector<1024x128xf32>
    %add3A_304 = arith.addf %add3A_302, %slice3A_303 : vector<1024x128xf32>
    %lt3A_305 = arith.cmpf olt, %add3A_304, %min3A_295 : vector<1024x128xf32>
    %min3A_306 = arith.minimumf %min3A_295, %add3A_304 : vector<1024x128xf32>
    %jit3A_307 = arith.constant 2.600000e+01 : f32
    %broadcast_in_dim3A_308 = vector.broadcast %jit3A_307 : f32 to vector<1024x128xf32>
    %select_n3A_309 = arith.select %lt3A_305, %broadcast_in_dim3A_308, %select_n3A_298 : vector<1024x128xi1>, vector<1024x128xf32>
    %slice3A_310 = vector.extract_strided_slice %get3A_14 {offsets = [0, 3456], sizes = [1, 128], strides = [1, 1]} : vector<1x8192xf32> to vector<1x128xf32>
    %add3A_311 = vector.broadcast %broadcast_in_dim3A : vector<1024x1xf32> to vector<1024x128xf32>
    %add3A_312 = vector.broadcast %slice3A_310 : vector<1x128xf32> to vector<1024x128xf32>
    %add3A_313 = arith.addf %add3A_311, %add3A_312 : vector<1024x128xf32>
    %slice3A_314 = vector.extract_strided_slice %dot_general3A_9 {offsets = [0, 3456], sizes = [1024, 128], strides = [1, 1]} : vector<1024x8192xf32> to vector<1024x128xf32>
    %add3A_315 = arith.addf %add3A_313, %slice3A_314 : vector<1024x128xf32>
    %lt3A_316 = arith.cmpf olt, %add3A_315, %min3A_306 : vector<1024x128xf32>
    %min3A_317 = arith.minimumf %min3A_306, %add3A_315 : vector<1024x128xf32>
    %jit3A_318 = arith.constant 2.700000e+01 : f32
    %broadcast_in_dim3A_319 = vector.broadcast %jit3A_318 : f32 to vector<1024x128xf32>
    %select_n3A_320 = arith.select %lt3A_316, %broadcast_in_dim3A_319, %select_n3A_309 : vector<1024x128xi1>, vector<1024x128xf32>
    %slice3A_321 = vector.extract_strided_slice %get3A_14 {offsets = [0, 3584], sizes = [1, 128], strides = [1, 1]} : vector<1x8192xf32> to vector<1x128xf32>
    %add3A_322 = vector.broadcast %broadcast_in_dim3A : vector<1024x1xf32> to vector<1024x128xf32>
    %add3A_323 = vector.broadcast %slice3A_321 : vector<1x128xf32> to vector<1024x128xf32>
    %add3A_324 = arith.addf %add3A_322, %add3A_323 : vector<1024x128xf32>
    %slice3A_325 = vector.extract_strided_slice %dot_general3A_9 {offsets = [0, 3584], sizes = [1024, 128], strides = [1, 1]} : vector<1024x8192xf32> to vector<1024x128xf32>
    %add3A_326 = arith.addf %add3A_324, %slice3A_325 : vector<1024x128xf32>
    %lt3A_327 = arith.cmpf olt, %add3A_326, %min3A_317 : vector<1024x128xf32>
    %min3A_328 = arith.minimumf %min3A_317, %add3A_326 : vector<1024x128xf32>
    %jit3A_329 = arith.constant 2.800000e+01 : f32
    %broadcast_in_dim3A_330 = vector.broadcast %jit3A_329 : f32 to vector<1024x128xf32>
    %select_n3A_331 = arith.select %lt3A_327, %broadcast_in_dim3A_330, %select_n3A_320 : vector<1024x128xi1>, vector<1024x128xf32>
    %slice3A_332 = vector.extract_strided_slice %get3A_14 {offsets = [0, 3712], sizes = [1, 128], strides = [1, 1]} : vector<1x8192xf32> to vector<1x128xf32>
    %add3A_333 = vector.broadcast %broadcast_in_dim3A : vector<1024x1xf32> to vector<1024x128xf32>
    %add3A_334 = vector.broadcast %slice3A_332 : vector<1x128xf32> to vector<1024x128xf32>
    %add3A_335 = arith.addf %add3A_333, %add3A_334 : vector<1024x128xf32>
    %slice3A_336 = vector.extract_strided_slice %dot_general3A_9 {offsets = [0, 3712], sizes = [1024, 128], strides = [1, 1]} : vector<1024x8192xf32> to vector<1024x128xf32>
    %add3A_337 = arith.addf %add3A_335, %slice3A_336 : vector<1024x128xf32>
    %lt3A_338 = arith.cmpf olt, %add3A_337, %min3A_328 : vector<1024x128xf32>
    %min3A_339 = arith.minimumf %min3A_328, %add3A_337 : vector<1024x128xf32>
    %jit3A_340 = arith.constant 2.900000e+01 : f32
    %broadcast_in_dim3A_341 = vector.broadcast %jit3A_340 : f32 to vector<1024x128xf32>
    %select_n3A_342 = arith.select %lt3A_338, %broadcast_in_dim3A_341, %select_n3A_331 : vector<1024x128xi1>, vector<1024x128xf32>
    %slice3A_343 = vector.extract_strided_slice %get3A_14 {offsets = [0, 3840], sizes = [1, 128], strides = [1, 1]} : vector<1x8192xf32> to vector<1x128xf32>
    %add3A_344 = vector.broadcast %broadcast_in_dim3A : vector<1024x1xf32> to vector<1024x128xf32>
    %add3A_345 = vector.broadcast %slice3A_343 : vector<1x128xf32> to vector<1024x128xf32>
    %add3A_346 = arith.addf %add3A_344, %add3A_345 : vector<1024x128xf32>
    %slice3A_347 = vector.extract_strided_slice %dot_general3A_9 {offsets = [0, 3840], sizes = [1024, 128], strides = [1, 1]} : vector<1024x8192xf32> to vector<1024x128xf32>
    %add3A_348 = arith.addf %add3A_346, %slice3A_347 : vector<1024x128xf32>
    %lt3A_349 = arith.cmpf olt, %add3A_348, %min3A_339 : vector<1024x128xf32>
    %min3A_350 = arith.minimumf %min3A_339, %add3A_348 : vector<1024x128xf32>
    %jit3A_351 = arith.constant 3.000000e+01 : f32
    %broadcast_in_dim3A_352 = vector.broadcast %jit3A_351 : f32 to vector<1024x128xf32>
    %select_n3A_353 = arith.select %lt3A_349, %broadcast_in_dim3A_352, %select_n3A_342 : vector<1024x128xi1>, vector<1024x128xf32>
    %slice3A_354 = vector.extract_strided_slice %get3A_14 {offsets = [0, 3968], sizes = [1, 128], strides = [1, 1]} : vector<1x8192xf32> to vector<1x128xf32>
    %add3A_355 = vector.broadcast %broadcast_in_dim3A : vector<1024x1xf32> to vector<1024x128xf32>
    %add3A_356 = vector.broadcast %slice3A_354 : vector<1x128xf32> to vector<1024x128xf32>
    %add3A_357 = arith.addf %add3A_355, %add3A_356 : vector<1024x128xf32>
    %slice3A_358 = vector.extract_strided_slice %dot_general3A_9 {offsets = [0, 3968], sizes = [1024, 128], strides = [1, 1]} : vector<1024x8192xf32> to vector<1024x128xf32>
    %add3A_359 = arith.addf %add3A_357, %slice3A_358 : vector<1024x128xf32>
    %lt3A_360 = arith.cmpf olt, %add3A_359, %min3A_350 : vector<1024x128xf32>
    %min3A_361 = arith.minimumf %min3A_350, %add3A_359 : vector<1024x128xf32>
    %jit3A_362 = arith.constant 3.100000e+01 : f32
    %broadcast_in_dim3A_363 = vector.broadcast %jit3A_362 : f32 to vector<1024x128xf32>
    %select_n3A_364 = arith.select %lt3A_360, %broadcast_in_dim3A_363, %select_n3A_353 : vector<1024x128xi1>, vector<1024x128xf32>
    %slice3A_365 = vector.extract_strided_slice %get3A_14 {offsets = [0, 4096], sizes = [1, 128], strides = [1, 1]} : vector<1x8192xf32> to vector<1x128xf32>
    %add3A_366 = vector.broadcast %broadcast_in_dim3A : vector<1024x1xf32> to vector<1024x128xf32>
    %add3A_367 = vector.broadcast %slice3A_365 : vector<1x128xf32> to vector<1024x128xf32>
    %add3A_368 = arith.addf %add3A_366, %add3A_367 : vector<1024x128xf32>
    %slice3A_369 = vector.extract_strided_slice %dot_general3A_9 {offsets = [0, 4096], sizes = [1024, 128], strides = [1, 1]} : vector<1024x8192xf32> to vector<1024x128xf32>
    %add3A_370 = arith.addf %add3A_368, %slice3A_369 : vector<1024x128xf32>
    %lt3A_371 = arith.cmpf olt, %add3A_370, %min3A_361 : vector<1024x128xf32>
    %min3A_372 = arith.minimumf %min3A_361, %add3A_370 : vector<1024x128xf32>
    %jit3A_373 = arith.constant 3.200000e+01 : f32
    %broadcast_in_dim3A_374 = vector.broadcast %jit3A_373 : f32 to vector<1024x128xf32>
    %select_n3A_375 = arith.select %lt3A_371, %broadcast_in_dim3A_374, %select_n3A_364 : vector<1024x128xi1>, vector<1024x128xf32>
    %slice3A_376 = vector.extract_strided_slice %get3A_14 {offsets = [0, 4224], sizes = [1, 128], strides = [1, 1]} : vector<1x8192xf32> to vector<1x128xf32>
    %add3A_377 = vector.broadcast %broadcast_in_dim3A : vector<1024x1xf32> to vector<1024x128xf32>
    %add3A_378 = vector.broadcast %slice3A_376 : vector<1x128xf32> to vector<1024x128xf32>
    %add3A_379 = arith.addf %add3A_377, %add3A_378 : vector<1024x128xf32>
    %slice3A_380 = vector.extract_strided_slice %dot_general3A_9 {offsets = [0, 4224], sizes = [1024, 128], strides = [1, 1]} : vector<1024x8192xf32> to vector<1024x128xf32>
    %add3A_381 = arith.addf %add3A_379, %slice3A_380 : vector<1024x128xf32>
    %lt3A_382 = arith.cmpf olt, %add3A_381, %min3A_372 : vector<1024x128xf32>
    %min3A_383 = arith.minimumf %min3A_372, %add3A_381 : vector<1024x128xf32>
    %jit3A_384 = arith.constant 3.300000e+01 : f32
    %broadcast_in_dim3A_385 = vector.broadcast %jit3A_384 : f32 to vector<1024x128xf32>
    %select_n3A_386 = arith.select %lt3A_382, %broadcast_in_dim3A_385, %select_n3A_375 : vector<1024x128xi1>, vector<1024x128xf32>
    %slice3A_387 = vector.extract_strided_slice %get3A_14 {offsets = [0, 4352], sizes = [1, 128], strides = [1, 1]} : vector<1x8192xf32> to vector<1x128xf32>
    %add3A_388 = vector.broadcast %broadcast_in_dim3A : vector<1024x1xf32> to vector<1024x128xf32>
    %add3A_389 = vector.broadcast %slice3A_387 : vector<1x128xf32> to vector<1024x128xf32>
    %add3A_390 = arith.addf %add3A_388, %add3A_389 : vector<1024x128xf32>
    %slice3A_391 = vector.extract_strided_slice %dot_general3A_9 {offsets = [0, 4352], sizes = [1024, 128], strides = [1, 1]} : vector<1024x8192xf32> to vector<1024x128xf32>
    %add3A_392 = arith.addf %add3A_390, %slice3A_391 : vector<1024x128xf32>
    %lt3A_393 = arith.cmpf olt, %add3A_392, %min3A_383 : vector<1024x128xf32>
    %min3A_394 = arith.minimumf %min3A_383, %add3A_392 : vector<1024x128xf32>
    %jit3A_395 = arith.constant 3.400000e+01 : f32
    %broadcast_in_dim3A_396 = vector.broadcast %jit3A_395 : f32 to vector<1024x128xf32>
    %select_n3A_397 = arith.select %lt3A_393, %broadcast_in_dim3A_396, %select_n3A_386 : vector<1024x128xi1>, vector<1024x128xf32>
    %slice3A_398 = vector.extract_strided_slice %get3A_14 {offsets = [0, 4480], sizes = [1, 128], strides = [1, 1]} : vector<1x8192xf32> to vector<1x128xf32>
    %add3A_399 = vector.broadcast %broadcast_in_dim3A : vector<1024x1xf32> to vector<1024x128xf32>
    %add3A_400 = vector.broadcast %slice3A_398 : vector<1x128xf32> to vector<1024x128xf32>
    %add3A_401 = arith.addf %add3A_399, %add3A_400 : vector<1024x128xf32>
    %slice3A_402 = vector.extract_strided_slice %dot_general3A_9 {offsets = [0, 4480], sizes = [1024, 128], strides = [1, 1]} : vector<1024x8192xf32> to vector<1024x128xf32>
    %add3A_403 = arith.addf %add3A_401, %slice3A_402 : vector<1024x128xf32>
    %lt3A_404 = arith.cmpf olt, %add3A_403, %min3A_394 : vector<1024x128xf32>
    %min3A_405 = arith.minimumf %min3A_394, %add3A_403 : vector<1024x128xf32>
    %jit3A_406 = arith.constant 3.500000e+01 : f32
    %broadcast_in_dim3A_407 = vector.broadcast %jit3A_406 : f32 to vector<1024x128xf32>
    %select_n3A_408 = arith.select %lt3A_404, %broadcast_in_dim3A_407, %select_n3A_397 : vector<1024x128xi1>, vector<1024x128xf32>
    %slice3A_409 = vector.extract_strided_slice %get3A_14 {offsets = [0, 4608], sizes = [1, 128], strides = [1, 1]} : vector<1x8192xf32> to vector<1x128xf32>
    %add3A_410 = vector.broadcast %broadcast_in_dim3A : vector<1024x1xf32> to vector<1024x128xf32>
    %add3A_411 = vector.broadcast %slice3A_409 : vector<1x128xf32> to vector<1024x128xf32>
    %add3A_412 = arith.addf %add3A_410, %add3A_411 : vector<1024x128xf32>
    %slice3A_413 = vector.extract_strided_slice %dot_general3A_9 {offsets = [0, 4608], sizes = [1024, 128], strides = [1, 1]} : vector<1024x8192xf32> to vector<1024x128xf32>
    %add3A_414 = arith.addf %add3A_412, %slice3A_413 : vector<1024x128xf32>
    %lt3A_415 = arith.cmpf olt, %add3A_414, %min3A_405 : vector<1024x128xf32>
    %min3A_416 = arith.minimumf %min3A_405, %add3A_414 : vector<1024x128xf32>
    %jit3A_417 = arith.constant 3.600000e+01 : f32
    %broadcast_in_dim3A_418 = vector.broadcast %jit3A_417 : f32 to vector<1024x128xf32>
    %select_n3A_419 = arith.select %lt3A_415, %broadcast_in_dim3A_418, %select_n3A_408 : vector<1024x128xi1>, vector<1024x128xf32>
    %slice3A_420 = vector.extract_strided_slice %get3A_14 {offsets = [0, 4736], sizes = [1, 128], strides = [1, 1]} : vector<1x8192xf32> to vector<1x128xf32>
    %add3A_421 = vector.broadcast %broadcast_in_dim3A : vector<1024x1xf32> to vector<1024x128xf32>
    %add3A_422 = vector.broadcast %slice3A_420 : vector<1x128xf32> to vector<1024x128xf32>
    %add3A_423 = arith.addf %add3A_421, %add3A_422 : vector<1024x128xf32>
    %slice3A_424 = vector.extract_strided_slice %dot_general3A_9 {offsets = [0, 4736], sizes = [1024, 128], strides = [1, 1]} : vector<1024x8192xf32> to vector<1024x128xf32>
    %add3A_425 = arith.addf %add3A_423, %slice3A_424 : vector<1024x128xf32>
    %lt3A_426 = arith.cmpf olt, %add3A_425, %min3A_416 : vector<1024x128xf32>
    %min3A_427 = arith.minimumf %min3A_416, %add3A_425 : vector<1024x128xf32>
    %jit3A_428 = arith.constant 3.700000e+01 : f32
    %broadcast_in_dim3A_429 = vector.broadcast %jit3A_428 : f32 to vector<1024x128xf32>
    %select_n3A_430 = arith.select %lt3A_426, %broadcast_in_dim3A_429, %select_n3A_419 : vector<1024x128xi1>, vector<1024x128xf32>
    %slice3A_431 = vector.extract_strided_slice %get3A_14 {offsets = [0, 4864], sizes = [1, 128], strides = [1, 1]} : vector<1x8192xf32> to vector<1x128xf32>
    %add3A_432 = vector.broadcast %broadcast_in_dim3A : vector<1024x1xf32> to vector<1024x128xf32>
    %add3A_433 = vector.broadcast %slice3A_431 : vector<1x128xf32> to vector<1024x128xf32>
    %add3A_434 = arith.addf %add3A_432, %add3A_433 : vector<1024x128xf32>
    %slice3A_435 = vector.extract_strided_slice %dot_general3A_9 {offsets = [0, 4864], sizes = [1024, 128], strides = [1, 1]} : vector<1024x8192xf32> to vector<1024x128xf32>
    %add3A_436 = arith.addf %add3A_434, %slice3A_435 : vector<1024x128xf32>
    %lt3A_437 = arith.cmpf olt, %add3A_436, %min3A_427 : vector<1024x128xf32>
    %min3A_438 = arith.minimumf %min3A_427, %add3A_436 : vector<1024x128xf32>
    %jit3A_439 = arith.constant 3.800000e+01 : f32
    %broadcast_in_dim3A_440 = vector.broadcast %jit3A_439 : f32 to vector<1024x128xf32>
    %select_n3A_441 = arith.select %lt3A_437, %broadcast_in_dim3A_440, %select_n3A_430 : vector<1024x128xi1>, vector<1024x128xf32>
    %slice3A_442 = vector.extract_strided_slice %get3A_14 {offsets = [0, 4992], sizes = [1, 128], strides = [1, 1]} : vector<1x8192xf32> to vector<1x128xf32>
    %add3A_443 = vector.broadcast %broadcast_in_dim3A : vector<1024x1xf32> to vector<1024x128xf32>
    %add3A_444 = vector.broadcast %slice3A_442 : vector<1x128xf32> to vector<1024x128xf32>
    %add3A_445 = arith.addf %add3A_443, %add3A_444 : vector<1024x128xf32>
    %slice3A_446 = vector.extract_strided_slice %dot_general3A_9 {offsets = [0, 4992], sizes = [1024, 128], strides = [1, 1]} : vector<1024x8192xf32> to vector<1024x128xf32>
    %add3A_447 = arith.addf %add3A_445, %slice3A_446 : vector<1024x128xf32>
    %lt3A_448 = arith.cmpf olt, %add3A_447, %min3A_438 : vector<1024x128xf32>
    %min3A_449 = arith.minimumf %min3A_438, %add3A_447 : vector<1024x128xf32>
    %jit3A_450 = arith.constant 3.900000e+01 : f32
    %broadcast_in_dim3A_451 = vector.broadcast %jit3A_450 : f32 to vector<1024x128xf32>
    %select_n3A_452 = arith.select %lt3A_448, %broadcast_in_dim3A_451, %select_n3A_441 : vector<1024x128xi1>, vector<1024x128xf32>
    %slice3A_453 = vector.extract_strided_slice %get3A_14 {offsets = [0, 5120], sizes = [1, 128], strides = [1, 1]} : vector<1x8192xf32> to vector<1x128xf32>
    %add3A_454 = vector.broadcast %broadcast_in_dim3A : vector<1024x1xf32> to vector<1024x128xf32>
    %add3A_455 = vector.broadcast %slice3A_453 : vector<1x128xf32> to vector<1024x128xf32>
    %add3A_456 = arith.addf %add3A_454, %add3A_455 : vector<1024x128xf32>
    %slice3A_457 = vector.extract_strided_slice %dot_general3A_9 {offsets = [0, 5120], sizes = [1024, 128], strides = [1, 1]} : vector<1024x8192xf32> to vector<1024x128xf32>
    %add3A_458 = arith.addf %add3A_456, %slice3A_457 : vector<1024x128xf32>
    %lt3A_459 = arith.cmpf olt, %add3A_458, %min3A_449 : vector<1024x128xf32>
    %min3A_460 = arith.minimumf %min3A_449, %add3A_458 : vector<1024x128xf32>
    %jit3A_461 = arith.constant 4.000000e+01 : f32
    %broadcast_in_dim3A_462 = vector.broadcast %jit3A_461 : f32 to vector<1024x128xf32>
    %select_n3A_463 = arith.select %lt3A_459, %broadcast_in_dim3A_462, %select_n3A_452 : vector<1024x128xi1>, vector<1024x128xf32>
    %slice3A_464 = vector.extract_strided_slice %get3A_14 {offsets = [0, 5248], sizes = [1, 128], strides = [1, 1]} : vector<1x8192xf32> to vector<1x128xf32>
    %add3A_465 = vector.broadcast %broadcast_in_dim3A : vector<1024x1xf32> to vector<1024x128xf32>
    %add3A_466 = vector.broadcast %slice3A_464 : vector<1x128xf32> to vector<1024x128xf32>
    %add3A_467 = arith.addf %add3A_465, %add3A_466 : vector<1024x128xf32>
    %slice3A_468 = vector.extract_strided_slice %dot_general3A_9 {offsets = [0, 5248], sizes = [1024, 128], strides = [1, 1]} : vector<1024x8192xf32> to vector<1024x128xf32>
    %add3A_469 = arith.addf %add3A_467, %slice3A_468 : vector<1024x128xf32>
    %lt3A_470 = arith.cmpf olt, %add3A_469, %min3A_460 : vector<1024x128xf32>
    %min3A_471 = arith.minimumf %min3A_460, %add3A_469 : vector<1024x128xf32>
    %jit3A_472 = arith.constant 4.100000e+01 : f32
    %broadcast_in_dim3A_473 = vector.broadcast %jit3A_472 : f32 to vector<1024x128xf32>
    %select_n3A_474 = arith.select %lt3A_470, %broadcast_in_dim3A_473, %select_n3A_463 : vector<1024x128xi1>, vector<1024x128xf32>
    %slice3A_475 = vector.extract_strided_slice %get3A_14 {offsets = [0, 5376], sizes = [1, 128], strides = [1, 1]} : vector<1x8192xf32> to vector<1x128xf32>
    %add3A_476 = vector.broadcast %broadcast_in_dim3A : vector<1024x1xf32> to vector<1024x128xf32>
    %add3A_477 = vector.broadcast %slice3A_475 : vector<1x128xf32> to vector<1024x128xf32>
    %add3A_478 = arith.addf %add3A_476, %add3A_477 : vector<1024x128xf32>
    %slice3A_479 = vector.extract_strided_slice %dot_general3A_9 {offsets = [0, 5376], sizes = [1024, 128], strides = [1, 1]} : vector<1024x8192xf32> to vector<1024x128xf32>
    %add3A_480 = arith.addf %add3A_478, %slice3A_479 : vector<1024x128xf32>
    %lt3A_481 = arith.cmpf olt, %add3A_480, %min3A_471 : vector<1024x128xf32>
    %min3A_482 = arith.minimumf %min3A_471, %add3A_480 : vector<1024x128xf32>
    %jit3A_483 = arith.constant 4.200000e+01 : f32
    %broadcast_in_dim3A_484 = vector.broadcast %jit3A_483 : f32 to vector<1024x128xf32>
    %select_n3A_485 = arith.select %lt3A_481, %broadcast_in_dim3A_484, %select_n3A_474 : vector<1024x128xi1>, vector<1024x128xf32>
    %slice3A_486 = vector.extract_strided_slice %get3A_14 {offsets = [0, 5504], sizes = [1, 128], strides = [1, 1]} : vector<1x8192xf32> to vector<1x128xf32>
    %add3A_487 = vector.broadcast %broadcast_in_dim3A : vector<1024x1xf32> to vector<1024x128xf32>
    %add3A_488 = vector.broadcast %slice3A_486 : vector<1x128xf32> to vector<1024x128xf32>
    %add3A_489 = arith.addf %add3A_487, %add3A_488 : vector<1024x128xf32>
    %slice3A_490 = vector.extract_strided_slice %dot_general3A_9 {offsets = [0, 5504], sizes = [1024, 128], strides = [1, 1]} : vector<1024x8192xf32> to vector<1024x128xf32>
    %add3A_491 = arith.addf %add3A_489, %slice3A_490 : vector<1024x128xf32>
    %lt3A_492 = arith.cmpf olt, %add3A_491, %min3A_482 : vector<1024x128xf32>
    %min3A_493 = arith.minimumf %min3A_482, %add3A_491 : vector<1024x128xf32>
    %jit3A_494 = arith.constant 4.300000e+01 : f32
    %broadcast_in_dim3A_495 = vector.broadcast %jit3A_494 : f32 to vector<1024x128xf32>
    %select_n3A_496 = arith.select %lt3A_492, %broadcast_in_dim3A_495, %select_n3A_485 : vector<1024x128xi1>, vector<1024x128xf32>
    %slice3A_497 = vector.extract_strided_slice %get3A_14 {offsets = [0, 5632], sizes = [1, 128], strides = [1, 1]} : vector<1x8192xf32> to vector<1x128xf32>
    %add3A_498 = vector.broadcast %broadcast_in_dim3A : vector<1024x1xf32> to vector<1024x128xf32>
    %add3A_499 = vector.broadcast %slice3A_497 : vector<1x128xf32> to vector<1024x128xf32>
    %add3A_500 = arith.addf %add3A_498, %add3A_499 : vector<1024x128xf32>
    %slice3A_501 = vector.extract_strided_slice %dot_general3A_9 {offsets = [0, 5632], sizes = [1024, 128], strides = [1, 1]} : vector<1024x8192xf32> to vector<1024x128xf32>
    %add3A_502 = arith.addf %add3A_500, %slice3A_501 : vector<1024x128xf32>
    %lt3A_503 = arith.cmpf olt, %add3A_502, %min3A_493 : vector<1024x128xf32>
    %min3A_504 = arith.minimumf %min3A_493, %add3A_502 : vector<1024x128xf32>
    %jit3A_505 = arith.constant 4.400000e+01 : f32
    %broadcast_in_dim3A_506 = vector.broadcast %jit3A_505 : f32 to vector<1024x128xf32>
    %select_n3A_507 = arith.select %lt3A_503, %broadcast_in_dim3A_506, %select_n3A_496 : vector<1024x128xi1>, vector<1024x128xf32>
    %slice3A_508 = vector.extract_strided_slice %get3A_14 {offsets = [0, 5760], sizes = [1, 128], strides = [1, 1]} : vector<1x8192xf32> to vector<1x128xf32>
    %add3A_509 = vector.broadcast %broadcast_in_dim3A : vector<1024x1xf32> to vector<1024x128xf32>
    %add3A_510 = vector.broadcast %slice3A_508 : vector<1x128xf32> to vector<1024x128xf32>
    %add3A_511 = arith.addf %add3A_509, %add3A_510 : vector<1024x128xf32>
    %slice3A_512 = vector.extract_strided_slice %dot_general3A_9 {offsets = [0, 5760], sizes = [1024, 128], strides = [1, 1]} : vector<1024x8192xf32> to vector<1024x128xf32>
    %add3A_513 = arith.addf %add3A_511, %slice3A_512 : vector<1024x128xf32>
    %lt3A_514 = arith.cmpf olt, %add3A_513, %min3A_504 : vector<1024x128xf32>
    %min3A_515 = arith.minimumf %min3A_504, %add3A_513 : vector<1024x128xf32>
    %jit3A_516 = arith.constant 4.500000e+01 : f32
    %broadcast_in_dim3A_517 = vector.broadcast %jit3A_516 : f32 to vector<1024x128xf32>
    %select_n3A_518 = arith.select %lt3A_514, %broadcast_in_dim3A_517, %select_n3A_507 : vector<1024x128xi1>, vector<1024x128xf32>
    %slice3A_519 = vector.extract_strided_slice %get3A_14 {offsets = [0, 5888], sizes = [1, 128], strides = [1, 1]} : vector<1x8192xf32> to vector<1x128xf32>
    %add3A_520 = vector.broadcast %broadcast_in_dim3A : vector<1024x1xf32> to vector<1024x128xf32>
    %add3A_521 = vector.broadcast %slice3A_519 : vector<1x128xf32> to vector<1024x128xf32>
    %add3A_522 = arith.addf %add3A_520, %add3A_521 : vector<1024x128xf32>
    %slice3A_523 = vector.extract_strided_slice %dot_general3A_9 {offsets = [0, 5888], sizes = [1024, 128], strides = [1, 1]} : vector<1024x8192xf32> to vector<1024x128xf32>
    %add3A_524 = arith.addf %add3A_522, %slice3A_523 : vector<1024x128xf32>
    %lt3A_525 = arith.cmpf olt, %add3A_524, %min3A_515 : vector<1024x128xf32>
    %min3A_526 = arith.minimumf %min3A_515, %add3A_524 : vector<1024x128xf32>
    %jit3A_527 = arith.constant 4.600000e+01 : f32
    %broadcast_in_dim3A_528 = vector.broadcast %jit3A_527 : f32 to vector<1024x128xf32>
    %select_n3A_529 = arith.select %lt3A_525, %broadcast_in_dim3A_528, %select_n3A_518 : vector<1024x128xi1>, vector<1024x128xf32>
    %slice3A_530 = vector.extract_strided_slice %get3A_14 {offsets = [0, 6016], sizes = [1, 128], strides = [1, 1]} : vector<1x8192xf32> to vector<1x128xf32>
    %add3A_531 = vector.broadcast %broadcast_in_dim3A : vector<1024x1xf32> to vector<1024x128xf32>
    %add3A_532 = vector.broadcast %slice3A_530 : vector<1x128xf32> to vector<1024x128xf32>
    %add3A_533 = arith.addf %add3A_531, %add3A_532 : vector<1024x128xf32>
    %slice3A_534 = vector.extract_strided_slice %dot_general3A_9 {offsets = [0, 6016], sizes = [1024, 128], strides = [1, 1]} : vector<1024x8192xf32> to vector<1024x128xf32>
    %add3A_535 = arith.addf %add3A_533, %slice3A_534 : vector<1024x128xf32>
    %lt3A_536 = arith.cmpf olt, %add3A_535, %min3A_526 : vector<1024x128xf32>
    %min3A_537 = arith.minimumf %min3A_526, %add3A_535 : vector<1024x128xf32>
    %jit3A_538 = arith.constant 4.700000e+01 : f32
    %broadcast_in_dim3A_539 = vector.broadcast %jit3A_538 : f32 to vector<1024x128xf32>
    %select_n3A_540 = arith.select %lt3A_536, %broadcast_in_dim3A_539, %select_n3A_529 : vector<1024x128xi1>, vector<1024x128xf32>
    %slice3A_541 = vector.extract_strided_slice %get3A_14 {offsets = [0, 6144], sizes = [1, 128], strides = [1, 1]} : vector<1x8192xf32> to vector<1x128xf32>
    %add3A_542 = vector.broadcast %broadcast_in_dim3A : vector<1024x1xf32> to vector<1024x128xf32>
    %add3A_543 = vector.broadcast %slice3A_541 : vector<1x128xf32> to vector<1024x128xf32>
    %add3A_544 = arith.addf %add3A_542, %add3A_543 : vector<1024x128xf32>
    %slice3A_545 = vector.extract_strided_slice %dot_general3A_9 {offsets = [0, 6144], sizes = [1024, 128], strides = [1, 1]} : vector<1024x8192xf32> to vector<1024x128xf32>
    %add3A_546 = arith.addf %add3A_544, %slice3A_545 : vector<1024x128xf32>
    %lt3A_547 = arith.cmpf olt, %add3A_546, %min3A_537 : vector<1024x128xf32>
    %min3A_548 = arith.minimumf %min3A_537, %add3A_546 : vector<1024x128xf32>
    %jit3A_549 = arith.constant 4.800000e+01 : f32
    %broadcast_in_dim3A_550 = vector.broadcast %jit3A_549 : f32 to vector<1024x128xf32>
    %select_n3A_551 = arith.select %lt3A_547, %broadcast_in_dim3A_550, %select_n3A_540 : vector<1024x128xi1>, vector<1024x128xf32>
    %slice3A_552 = vector.extract_strided_slice %get3A_14 {offsets = [0, 6272], sizes = [1, 128], strides = [1, 1]} : vector<1x8192xf32> to vector<1x128xf32>
    %add3A_553 = vector.broadcast %broadcast_in_dim3A : vector<1024x1xf32> to vector<1024x128xf32>
    %add3A_554 = vector.broadcast %slice3A_552 : vector<1x128xf32> to vector<1024x128xf32>
    %add3A_555 = arith.addf %add3A_553, %add3A_554 : vector<1024x128xf32>
    %slice3A_556 = vector.extract_strided_slice %dot_general3A_9 {offsets = [0, 6272], sizes = [1024, 128], strides = [1, 1]} : vector<1024x8192xf32> to vector<1024x128xf32>
    %add3A_557 = arith.addf %add3A_555, %slice3A_556 : vector<1024x128xf32>
    %lt3A_558 = arith.cmpf olt, %add3A_557, %min3A_548 : vector<1024x128xf32>
    %min3A_559 = arith.minimumf %min3A_548, %add3A_557 : vector<1024x128xf32>
    %jit3A_560 = arith.constant 4.900000e+01 : f32
    %broadcast_in_dim3A_561 = vector.broadcast %jit3A_560 : f32 to vector<1024x128xf32>
    %select_n3A_562 = arith.select %lt3A_558, %broadcast_in_dim3A_561, %select_n3A_551 : vector<1024x128xi1>, vector<1024x128xf32>
    %slice3A_563 = vector.extract_strided_slice %get3A_14 {offsets = [0, 6400], sizes = [1, 128], strides = [1, 1]} : vector<1x8192xf32> to vector<1x128xf32>
    %add3A_564 = vector.broadcast %broadcast_in_dim3A : vector<1024x1xf32> to vector<1024x128xf32>
    %add3A_565 = vector.broadcast %slice3A_563 : vector<1x128xf32> to vector<1024x128xf32>
    %add3A_566 = arith.addf %add3A_564, %add3A_565 : vector<1024x128xf32>
    %slice3A_567 = vector.extract_strided_slice %dot_general3A_9 {offsets = [0, 6400], sizes = [1024, 128], strides = [1, 1]} : vector<1024x8192xf32> to vector<1024x128xf32>
    %add3A_568 = arith.addf %add3A_566, %slice3A_567 : vector<1024x128xf32>
    %lt3A_569 = arith.cmpf olt, %add3A_568, %min3A_559 : vector<1024x128xf32>
    %min3A_570 = arith.minimumf %min3A_559, %add3A_568 : vector<1024x128xf32>
    %jit3A_571 = arith.constant 5.000000e+01 : f32
    %broadcast_in_dim3A_572 = vector.broadcast %jit3A_571 : f32 to vector<1024x128xf32>
    %select_n3A_573 = arith.select %lt3A_569, %broadcast_in_dim3A_572, %select_n3A_562 : vector<1024x128xi1>, vector<1024x128xf32>
    %slice3A_574 = vector.extract_strided_slice %get3A_14 {offsets = [0, 6528], sizes = [1, 128], strides = [1, 1]} : vector<1x8192xf32> to vector<1x128xf32>
    %add3A_575 = vector.broadcast %broadcast_in_dim3A : vector<1024x1xf32> to vector<1024x128xf32>
    %add3A_576 = vector.broadcast %slice3A_574 : vector<1x128xf32> to vector<1024x128xf32>
    %add3A_577 = arith.addf %add3A_575, %add3A_576 : vector<1024x128xf32>
    %slice3A_578 = vector.extract_strided_slice %dot_general3A_9 {offsets = [0, 6528], sizes = [1024, 128], strides = [1, 1]} : vector<1024x8192xf32> to vector<1024x128xf32>
    %add3A_579 = arith.addf %add3A_577, %slice3A_578 : vector<1024x128xf32>
    %lt3A_580 = arith.cmpf olt, %add3A_579, %min3A_570 : vector<1024x128xf32>
    %min3A_581 = arith.minimumf %min3A_570, %add3A_579 : vector<1024x128xf32>
    %jit3A_582 = arith.constant 5.100000e+01 : f32
    %broadcast_in_dim3A_583 = vector.broadcast %jit3A_582 : f32 to vector<1024x128xf32>
    %select_n3A_584 = arith.select %lt3A_580, %broadcast_in_dim3A_583, %select_n3A_573 : vector<1024x128xi1>, vector<1024x128xf32>
    %slice3A_585 = vector.extract_strided_slice %get3A_14 {offsets = [0, 6656], sizes = [1, 128], strides = [1, 1]} : vector<1x8192xf32> to vector<1x128xf32>
    %add3A_586 = vector.broadcast %broadcast_in_dim3A : vector<1024x1xf32> to vector<1024x128xf32>
    %add3A_587 = vector.broadcast %slice3A_585 : vector<1x128xf32> to vector<1024x128xf32>
    %add3A_588 = arith.addf %add3A_586, %add3A_587 : vector<1024x128xf32>
    %slice3A_589 = vector.extract_strided_slice %dot_general3A_9 {offsets = [0, 6656], sizes = [1024, 128], strides = [1, 1]} : vector<1024x8192xf32> to vector<1024x128xf32>
    %add3A_590 = arith.addf %add3A_588, %slice3A_589 : vector<1024x128xf32>
    %lt3A_591 = arith.cmpf olt, %add3A_590, %min3A_581 : vector<1024x128xf32>
    %min3A_592 = arith.minimumf %min3A_581, %add3A_590 : vector<1024x128xf32>
    %jit3A_593 = arith.constant 5.200000e+01 : f32
    %broadcast_in_dim3A_594 = vector.broadcast %jit3A_593 : f32 to vector<1024x128xf32>
    %select_n3A_595 = arith.select %lt3A_591, %broadcast_in_dim3A_594, %select_n3A_584 : vector<1024x128xi1>, vector<1024x128xf32>
    %slice3A_596 = vector.extract_strided_slice %get3A_14 {offsets = [0, 6784], sizes = [1, 128], strides = [1, 1]} : vector<1x8192xf32> to vector<1x128xf32>
    %add3A_597 = vector.broadcast %broadcast_in_dim3A : vector<1024x1xf32> to vector<1024x128xf32>
    %add3A_598 = vector.broadcast %slice3A_596 : vector<1x128xf32> to vector<1024x128xf32>
    %add3A_599 = arith.addf %add3A_597, %add3A_598 : vector<1024x128xf32>
    %slice3A_600 = vector.extract_strided_slice %dot_general3A_9 {offsets = [0, 6784], sizes = [1024, 128], strides = [1, 1]} : vector<1024x8192xf32> to vector<1024x128xf32>
    %add3A_601 = arith.addf %add3A_599, %slice3A_600 : vector<1024x128xf32>
    %lt3A_602 = arith.cmpf olt, %add3A_601, %min3A_592 : vector<1024x128xf32>
    %min3A_603 = arith.minimumf %min3A_592, %add3A_601 : vector<1024x128xf32>
    %jit3A_604 = arith.constant 5.300000e+01 : f32
    %broadcast_in_dim3A_605 = vector.broadcast %jit3A_604 : f32 to vector<1024x128xf32>
    %select_n3A_606 = arith.select %lt3A_602, %broadcast_in_dim3A_605, %select_n3A_595 : vector<1024x128xi1>, vector<1024x128xf32>
    %slice3A_607 = vector.extract_strided_slice %get3A_14 {offsets = [0, 6912], sizes = [1, 128], strides = [1, 1]} : vector<1x8192xf32> to vector<1x128xf32>
    %add3A_608 = vector.broadcast %broadcast_in_dim3A : vector<1024x1xf32> to vector<1024x128xf32>
    %add3A_609 = vector.broadcast %slice3A_607 : vector<1x128xf32> to vector<1024x128xf32>
    %add3A_610 = arith.addf %add3A_608, %add3A_609 : vector<1024x128xf32>
    %slice3A_611 = vector.extract_strided_slice %dot_general3A_9 {offsets = [0, 6912], sizes = [1024, 128], strides = [1, 1]} : vector<1024x8192xf32> to vector<1024x128xf32>
    %add3A_612 = arith.addf %add3A_610, %slice3A_611 : vector<1024x128xf32>
    %lt3A_613 = arith.cmpf olt, %add3A_612, %min3A_603 : vector<1024x128xf32>
    %min3A_614 = arith.minimumf %min3A_603, %add3A_612 : vector<1024x128xf32>
    %jit3A_615 = arith.constant 5.400000e+01 : f32
    %broadcast_in_dim3A_616 = vector.broadcast %jit3A_615 : f32 to vector<1024x128xf32>
    %select_n3A_617 = arith.select %lt3A_613, %broadcast_in_dim3A_616, %select_n3A_606 : vector<1024x128xi1>, vector<1024x128xf32>
    %slice3A_618 = vector.extract_strided_slice %get3A_14 {offsets = [0, 7040], sizes = [1, 128], strides = [1, 1]} : vector<1x8192xf32> to vector<1x128xf32>
    %add3A_619 = vector.broadcast %broadcast_in_dim3A : vector<1024x1xf32> to vector<1024x128xf32>
    %add3A_620 = vector.broadcast %slice3A_618 : vector<1x128xf32> to vector<1024x128xf32>
    %add3A_621 = arith.addf %add3A_619, %add3A_620 : vector<1024x128xf32>
    %slice3A_622 = vector.extract_strided_slice %dot_general3A_9 {offsets = [0, 7040], sizes = [1024, 128], strides = [1, 1]} : vector<1024x8192xf32> to vector<1024x128xf32>
    %add3A_623 = arith.addf %add3A_621, %slice3A_622 : vector<1024x128xf32>
    %lt3A_624 = arith.cmpf olt, %add3A_623, %min3A_614 : vector<1024x128xf32>
    %min3A_625 = arith.minimumf %min3A_614, %add3A_623 : vector<1024x128xf32>
    %jit3A_626 = arith.constant 5.500000e+01 : f32
    %broadcast_in_dim3A_627 = vector.broadcast %jit3A_626 : f32 to vector<1024x128xf32>
    %select_n3A_628 = arith.select %lt3A_624, %broadcast_in_dim3A_627, %select_n3A_617 : vector<1024x128xi1>, vector<1024x128xf32>
    %slice3A_629 = vector.extract_strided_slice %get3A_14 {offsets = [0, 7168], sizes = [1, 128], strides = [1, 1]} : vector<1x8192xf32> to vector<1x128xf32>
    %add3A_630 = vector.broadcast %broadcast_in_dim3A : vector<1024x1xf32> to vector<1024x128xf32>
    %add3A_631 = vector.broadcast %slice3A_629 : vector<1x128xf32> to vector<1024x128xf32>
    %add3A_632 = arith.addf %add3A_630, %add3A_631 : vector<1024x128xf32>
    %slice3A_633 = vector.extract_strided_slice %dot_general3A_9 {offsets = [0, 7168], sizes = [1024, 128], strides = [1, 1]} : vector<1024x8192xf32> to vector<1024x128xf32>
    %add3A_634 = arith.addf %add3A_632, %slice3A_633 : vector<1024x128xf32>
    %lt3A_635 = arith.cmpf olt, %add3A_634, %min3A_625 : vector<1024x128xf32>
    %min3A_636 = arith.minimumf %min3A_625, %add3A_634 : vector<1024x128xf32>
    %jit3A_637 = arith.constant 5.600000e+01 : f32
    %broadcast_in_dim3A_638 = vector.broadcast %jit3A_637 : f32 to vector<1024x128xf32>
    %select_n3A_639 = arith.select %lt3A_635, %broadcast_in_dim3A_638, %select_n3A_628 : vector<1024x128xi1>, vector<1024x128xf32>
    %slice3A_640 = vector.extract_strided_slice %get3A_14 {offsets = [0, 7296], sizes = [1, 128], strides = [1, 1]} : vector<1x8192xf32> to vector<1x128xf32>
    %add3A_641 = vector.broadcast %broadcast_in_dim3A : vector<1024x1xf32> to vector<1024x128xf32>
    %add3A_642 = vector.broadcast %slice3A_640 : vector<1x128xf32> to vector<1024x128xf32>
    %add3A_643 = arith.addf %add3A_641, %add3A_642 : vector<1024x128xf32>
    %slice3A_644 = vector.extract_strided_slice %dot_general3A_9 {offsets = [0, 7296], sizes = [1024, 128], strides = [1, 1]} : vector<1024x8192xf32> to vector<1024x128xf32>
    %add3A_645 = arith.addf %add3A_643, %slice3A_644 : vector<1024x128xf32>
    %lt3A_646 = arith.cmpf olt, %add3A_645, %min3A_636 : vector<1024x128xf32>
    %min3A_647 = arith.minimumf %min3A_636, %add3A_645 : vector<1024x128xf32>
    %jit3A_648 = arith.constant 5.700000e+01 : f32
    %broadcast_in_dim3A_649 = vector.broadcast %jit3A_648 : f32 to vector<1024x128xf32>
    %select_n3A_650 = arith.select %lt3A_646, %broadcast_in_dim3A_649, %select_n3A_639 : vector<1024x128xi1>, vector<1024x128xf32>
    %slice3A_651 = vector.extract_strided_slice %get3A_14 {offsets = [0, 7424], sizes = [1, 128], strides = [1, 1]} : vector<1x8192xf32> to vector<1x128xf32>
    %add3A_652 = vector.broadcast %broadcast_in_dim3A : vector<1024x1xf32> to vector<1024x128xf32>
    %add3A_653 = vector.broadcast %slice3A_651 : vector<1x128xf32> to vector<1024x128xf32>
    %add3A_654 = arith.addf %add3A_652, %add3A_653 : vector<1024x128xf32>
    %slice3A_655 = vector.extract_strided_slice %dot_general3A_9 {offsets = [0, 7424], sizes = [1024, 128], strides = [1, 1]} : vector<1024x8192xf32> to vector<1024x128xf32>
    %add3A_656 = arith.addf %add3A_654, %slice3A_655 : vector<1024x128xf32>
    %lt3A_657 = arith.cmpf olt, %add3A_656, %min3A_647 : vector<1024x128xf32>
    %min3A_658 = arith.minimumf %min3A_647, %add3A_656 : vector<1024x128xf32>
    %jit3A_659 = arith.constant 5.800000e+01 : f32
    %broadcast_in_dim3A_660 = vector.broadcast %jit3A_659 : f32 to vector<1024x128xf32>
    %select_n3A_661 = arith.select %lt3A_657, %broadcast_in_dim3A_660, %select_n3A_650 : vector<1024x128xi1>, vector<1024x128xf32>
    %slice3A_662 = vector.extract_strided_slice %get3A_14 {offsets = [0, 7552], sizes = [1, 128], strides = [1, 1]} : vector<1x8192xf32> to vector<1x128xf32>
    %add3A_663 = vector.broadcast %broadcast_in_dim3A : vector<1024x1xf32> to vector<1024x128xf32>
    %add3A_664 = vector.broadcast %slice3A_662 : vector<1x128xf32> to vector<1024x128xf32>
    %add3A_665 = arith.addf %add3A_663, %add3A_664 : vector<1024x128xf32>
    %slice3A_666 = vector.extract_strided_slice %dot_general3A_9 {offsets = [0, 7552], sizes = [1024, 128], strides = [1, 1]} : vector<1024x8192xf32> to vector<1024x128xf32>
    %add3A_667 = arith.addf %add3A_665, %slice3A_666 : vector<1024x128xf32>
    %lt3A_668 = arith.cmpf olt, %add3A_667, %min3A_658 : vector<1024x128xf32>
    %min3A_669 = arith.minimumf %min3A_658, %add3A_667 : vector<1024x128xf32>
    %jit3A_670 = arith.constant 5.900000e+01 : f32
    %broadcast_in_dim3A_671 = vector.broadcast %jit3A_670 : f32 to vector<1024x128xf32>
    %select_n3A_672 = arith.select %lt3A_668, %broadcast_in_dim3A_671, %select_n3A_661 : vector<1024x128xi1>, vector<1024x128xf32>
    %slice3A_673 = vector.extract_strided_slice %get3A_14 {offsets = [0, 7680], sizes = [1, 128], strides = [1, 1]} : vector<1x8192xf32> to vector<1x128xf32>
    %add3A_674 = vector.broadcast %broadcast_in_dim3A : vector<1024x1xf32> to vector<1024x128xf32>
    %add3A_675 = vector.broadcast %slice3A_673 : vector<1x128xf32> to vector<1024x128xf32>
    %add3A_676 = arith.addf %add3A_674, %add3A_675 : vector<1024x128xf32>
    %slice3A_677 = vector.extract_strided_slice %dot_general3A_9 {offsets = [0, 7680], sizes = [1024, 128], strides = [1, 1]} : vector<1024x8192xf32> to vector<1024x128xf32>
    %add3A_678 = arith.addf %add3A_676, %slice3A_677 : vector<1024x128xf32>
    %lt3A_679 = arith.cmpf olt, %add3A_678, %min3A_669 : vector<1024x128xf32>
    %min3A_680 = arith.minimumf %min3A_669, %add3A_678 : vector<1024x128xf32>
    %jit3A_681 = arith.constant 6.000000e+01 : f32
    %broadcast_in_dim3A_682 = vector.broadcast %jit3A_681 : f32 to vector<1024x128xf32>
    %select_n3A_683 = arith.select %lt3A_679, %broadcast_in_dim3A_682, %select_n3A_672 : vector<1024x128xi1>, vector<1024x128xf32>
    %slice3A_684 = vector.extract_strided_slice %get3A_14 {offsets = [0, 7808], sizes = [1, 128], strides = [1, 1]} : vector<1x8192xf32> to vector<1x128xf32>
    %add3A_685 = vector.broadcast %broadcast_in_dim3A : vector<1024x1xf32> to vector<1024x128xf32>
    %add3A_686 = vector.broadcast %slice3A_684 : vector<1x128xf32> to vector<1024x128xf32>
    %add3A_687 = arith.addf %add3A_685, %add3A_686 : vector<1024x128xf32>
    %slice3A_688 = vector.extract_strided_slice %dot_general3A_9 {offsets = [0, 7808], sizes = [1024, 128], strides = [1, 1]} : vector<1024x8192xf32> to vector<1024x128xf32>
    %add3A_689 = arith.addf %add3A_687, %slice3A_688 : vector<1024x128xf32>
    %lt3A_690 = arith.cmpf olt, %add3A_689, %min3A_680 : vector<1024x128xf32>
    %min3A_691 = arith.minimumf %min3A_680, %add3A_689 : vector<1024x128xf32>
    %jit3A_692 = arith.constant 6.100000e+01 : f32
    %broadcast_in_dim3A_693 = vector.broadcast %jit3A_692 : f32 to vector<1024x128xf32>
    %select_n3A_694 = arith.select %lt3A_690, %broadcast_in_dim3A_693, %select_n3A_683 : vector<1024x128xi1>, vector<1024x128xf32>
    %slice3A_695 = vector.extract_strided_slice %get3A_14 {offsets = [0, 7936], sizes = [1, 128], strides = [1, 1]} : vector<1x8192xf32> to vector<1x128xf32>
    %add3A_696 = vector.broadcast %broadcast_in_dim3A : vector<1024x1xf32> to vector<1024x128xf32>
    %add3A_697 = vector.broadcast %slice3A_695 : vector<1x128xf32> to vector<1024x128xf32>
    %add3A_698 = arith.addf %add3A_696, %add3A_697 : vector<1024x128xf32>
    %slice3A_699 = vector.extract_strided_slice %dot_general3A_9 {offsets = [0, 7936], sizes = [1024, 128], strides = [1, 1]} : vector<1024x8192xf32> to vector<1024x128xf32>
    %add3A_700 = arith.addf %add3A_698, %slice3A_699 : vector<1024x128xf32>
    %lt3A_701 = arith.cmpf olt, %add3A_700, %min3A_691 : vector<1024x128xf32>
    %min3A_702 = arith.minimumf %min3A_691, %add3A_700 : vector<1024x128xf32>
    %jit3A_703 = arith.constant 6.200000e+01 : f32
    %broadcast_in_dim3A_704 = vector.broadcast %jit3A_703 : f32 to vector<1024x128xf32>
    %select_n3A_705 = arith.select %lt3A_701, %broadcast_in_dim3A_704, %select_n3A_694 : vector<1024x128xi1>, vector<1024x128xf32>
    %slice3A_706 = vector.extract_strided_slice %get3A_14 {offsets = [0, 8064], sizes = [1, 128], strides = [1, 1]} : vector<1x8192xf32> to vector<1x128xf32>
    %add3A_707 = vector.broadcast %broadcast_in_dim3A : vector<1024x1xf32> to vector<1024x128xf32>
    %add3A_708 = vector.broadcast %slice3A_706 : vector<1x128xf32> to vector<1024x128xf32>
    %add3A_709 = arith.addf %add3A_707, %add3A_708 : vector<1024x128xf32>
    %slice3A_710 = vector.extract_strided_slice %dot_general3A_9 {offsets = [0, 8064], sizes = [1024, 128], strides = [1, 1]} : vector<1024x8192xf32> to vector<1024x128xf32>
    %add3A_711 = arith.addf %add3A_709, %slice3A_710 : vector<1024x128xf32>
    %lt3A_712 = arith.cmpf olt, %add3A_711, %min3A_702 : vector<1024x128xf32>
    %min3A_713 = arith.minimumf %min3A_702, %add3A_711 : vector<1024x128xf32>
    %jit3A_714 = arith.constant 6.300000e+01 : f32
    %broadcast_in_dim3A_715 = vector.broadcast %jit3A_714 : f32 to vector<1024x128xf32>
    %select_n3A_716 = arith.select %lt3A_712, %broadcast_in_dim3A_715, %select_n3A_705 : vector<1024x128xi1>, vector<1024x128xf32>
    %reduce_min3A = arith.constant dense<0x7F800000> : vector<1024xf32>
    %reduce_min3A_717 = vector.multi_reduction <minimumf>, %min3A_713, %reduce_min3A [1] : vector<1024x128xf32> to vector<1024xf32>
    %broadcast_in_dim3A_718 = vector.shape_cast %reduce_min3A_717 : vector<1024xf32> to vector<1024x1xf32>
    %iota3A = tpu.iota {dimensions = array<i32: 1>} : vector<1024x128xi32>
    %convert_element_type3A_719 = arith.sitofp %iota3A : vector<1024x128xi32> to vector<1024x128xf32>
    %mul3A_720 = arith.constant 1.280000e+02 : f32
    %mul3A_721 = vector.broadcast %mul3A_720 : f32 to vector<1024x128xf32>
    %mul3A_722 = arith.mulf %select_n3A_716, %mul3A_721 : vector<1024x128xf32>
    %add3A_723 = arith.addf %mul3A_722, %convert_element_type3A_719 : vector<1024x128xf32>
    %eq3A_724 = vector.broadcast %broadcast_in_dim3A_718 : vector<1024x1xf32> to vector<1024x128xf32>
    %eq3A_725 = arith.cmpf oeq, %min3A_713, %eq3A_724 : vector<1024x128xf32>
    %jit3A_726 = arith.constant 3.000000e+38 : f32
    %broadcast_in_dim3A_727 = vector.broadcast %jit3A_726 : f32 to vector<1024x128xf32>
    %select_n3A_728 = arith.select %eq3A_725, %add3A_723, %broadcast_in_dim3A_727 : vector<1024x128xi1>, vector<1024x128xf32>
    %reduce_min3A_729 = arith.constant dense<0x7F800000> : vector<1024xf32>
    %reduce_min3A_730 = vector.multi_reduction <minimumf>, %select_n3A_728, %reduce_min3A_729 [1] : vector<1024x128xf32> to vector<1024xf32>
    %broadcast_in_dim3A_731 = vector.shape_cast %reduce_min3A_730 : vector<1024xf32> to vector<1024x1xf32>
    %convert_element_type3A_732 = arith.fptosi %broadcast_in_dim3A_731 : vector<1024x1xf32> to vector<1024x1xi32>
    %transpose3A = tpu.transpose %convert_element_type3A_732, [1, 0] : vector<1024x1xi32> -> vector<1x1024xi32>
    %reshape3A = vector.shape_cast %transpose3A : vector<1x1024xi32> to vector<1x1x1024xi32>
    %swap3A = arith.constant 0 : index
    %swap3A_733 = arith.constant 0 : index
    %swap3A_734 = arith.constant 0 : index
    %swap3A_735 = vector.load %arg3[%swap3A, %swap3A_733, %swap3A_734] : memref<1x1x1024xi32, #tpu.memory_space<vmem>>, vector<1x1x1024xi32>
    tpu.vector_store %arg3[%swap3A, %swap3A_733, %swap3A_734], %reshape3A {strides = array<i32>} : memref<1x1x1024xi32, #tpu.memory_space<vmem>>, vector<1x1x1024xi32>,
    return
  }
  func.func @transform_0(%arg0: i32) -> (i32, i32) {
    %c0_i32 = arith.constant 0 : i32
    %c0_i32_0 = arith.constant 0 : i32
    return %arg0, %c0_i32 : i32, i32
  }
  func.func @transform_1(%arg0: i32) -> (i32, i32) {
    %c0_i32 = arith.constant 0 : i32
    %c0_i32_0 = arith.constant 0 : i32
    %c0_i32_1 = arith.constant 0 : i32
    return %c0_i32, %c0_i32_0 : i32, i32
  }
  func.func @transform_2(%arg0: i32) -> (i32, i32, i32) {
    %c0_i32 = arith.constant 0 : i32
    %c0_i32_0 = arith.constant 0 : i32
    %c0_i32_1 = arith.constant 0 : i32
    return %arg0, %c0_i32, %c0_i32_0 : i32, i32, i32
  }
  func.func @transform_3(%arg0: i32) -> (i32, i32) {
    %c0_i32 = arith.constant 0 : i32
    %c0_i32_0 = arith.constant 0 : i32
    %c0_i32_1 = arith.constant 0 : i32
    return %c0_i32, %c0_i32_0 : i32, i32
  }
}

</mosaic_0001>

<sc_bundles>
// kernel: kernel.4.cloned.1.call-start
scs
__scs_entry_jumppad:
0x0: {  	(pc) =	sbr.rel $0x88, $3  }
0x1: {  	(tag) =	ssettag $0x0;
	lr =	simm.s32 $0x1  }
0x2: {  	[smem:$0x3F9F] =	sst lr;
	_ =	strace $0xD0000000  }
0x3: {  	_ = 	snop  }
0x4: {  	_ = 	snop  }
0x5: {  	_ = 	snop  }
0x6: {  	_ = 	snop  }
0x7: {  	_ = 	snop  }
__scs_overlays_trampoline_lowered:
0x8: {  	[smem:$0x3FAE] =	sst s0  }
0x9: {  	[smem:$0x3FAF] =	sst s1  }
0xa: {  	[smem:$0x3FB0] =	sst s2  }
0xb: {  	[smem:$0x3FB1] =	sst s3  }
0xc: {  	[smem:$0x3FB2] =	sst s4  }
0xd: {  	[smem:$0x3FB3] =	sst s5  }
0xe: {  	[smem:$0x3FB4] =	sst s6  }
0xf: {  	[smem:$0x3FB5] =	sst s7  }
0x10: {  	[smem:$0x3FB6] =	sst s8  }
0x11: {  	[smem:$0x3FB7] =	sst s9;
	s0 =	simm.s32 @!p0 $0x0  }
0x12: {  	s1 =	sld [smem:$0x3F9D];
	s0 =	simm.s32 @p0 $0x1  }
0x13: {  	[smem:$0x3FB8] =	sst s0;
	s0 =	simm.s32 @!p1 $0x0  }
0x14: {  	s2 =	sld [smem:$0x3F9C];
	s0 =	simm.s32 @p1 $0x1  }
0x15: {  	[smem:$0x3FB9] =	sst s0;
	s0 =	simm.s32 @!p2 $0x0  }
0x16: {  	s3 =	sld [smem:$0x3FDB];
	s0 =	simm.s32 @p2 $0x1  }
0x17: {  	s4 =	simm.s32 $0x1BF5;
	[smem:$0x3FBB] =	sst s0  }
0x18: {  	s0 =	sld [smem:$0x3F9E];
	_ =	swait.ge [sflag:s4], $0x0  }
0x19: {  	s7 =	sld [smem:$0x3F9F]  }
0x1a: {  	s8 =	sadd.s32 $0xFFFFE003, lr  }
0x1b: {  	s9 =	sadd.s32 $0xFFFFFEF7, lr;
	s5 =	simm.s32 $0xFFFFFFFF;
	p2 =	slt.u32 s8, $0xFFFFF086  }
0x1c: {  	p1 =	slt.u32 s9, $0xF7A;
	s5 =	simm.s32 @!p2 $0x0  }
0x1d: {  	s5 =	simm.s32 @p1 $0x1;
	p0 =	seq.s32 s7, s2  }
0x1e: {  	s7 =	smul.u32 @!p0 $0xF7A, s2;
	p2 =	seq.s32 @!p0 s5, $0x0  }
0x1f: {  	s9 =	smul.u32 $0xF7A, s1;
	s8 =	simm.s32 @!p0 $0x1BF5;
	p2 =	por !p2, p0  }
0x20: {  	[sflag:s8] =	ssyncset.s32 @!p0 $0xFFFFF086;
	s6 =	sadd.s32 @!p0 s3, s7;
	s7 =	simm.s32 @!p0 $0x108  }
0x21: {  	s3 =	sadd.s32 s3, s9;
	s6 =	sadd.s32 @!p0 $0x88, s6;
	s7 =	simm.s32 @p2 $0x1082  }
0x22: {  	[simem:s7], [sflag:s8] =	dma.local @!p0 [hbm:s6], $0xF7A  }
0x23: {  	s9 =	sor.u32 $0xD0000000, s2;
	s6 =	simm.s32 $0x108;
	_ =	swait.ge @!p0 [sflag:s8], $0x0  }
0x24: {  	s3 =	sadd.s32 $0x88, s3;
	s6 =	simm.s32 @!p1 $0x1082;
	[sflag:s4] =	ssyncset.s32 $0xFFFFF086  }
0x25: {  	[simem:s6], [sflag:s4] =	dma.local [hbm:s3], $0xF7A  }
0x26: {  	[smem:$0x3F9F] =	sst s1;
	(tag) =	ssettag s2;
	_ =	strace s9  }
0x27: {  	s1 =	sld [smem:$0x3FAF]  }
0x28: {  	s2 =	sld [smem:$0x3FB0]  }
0x29: {  	s4 =	sld [smem:$0x3FB2]  }
0x2a: {  	p0 =	seq.s32 s5, $0x0;
	s5 =	sld [smem:$0x3FB3]  }
0x2b: {  	s6 =	sld [smem:$0x3FB4]  }
0x2c: {  	s7 =	sld [smem:$0x3FB5]  }
0x2d: {  	s3 =	simm.s32 $0x108;
	s8 =	sld [smem:$0x3FB6]  }
0x2e: {  	s3 =	simm.s32 @!p0 $0x1082;
	s9 =	sld [smem:$0x3FB7]  }
0x2f: {  	lr =	sadd.s32 s0, s3;
	s0 =	sld [smem:$0x3FAE]  }
0x30: {  	s3 =	sld [smem:$0x3FB1]  }
0x31: {  	[smem:$0x3FBA] =	sst s10  }
0x32: {  	s10 =	sld [smem:$0x3FB8];
	_ =	sdelay $0x3  }
0x33: {  	p0 =	seq.s32 s10, $0x1;
	s10 =	sld [smem:$0x3FBA];
	_ =	sdelay $0x3  }
0x34: {  	[smem:$0x3FBA] =	sst s10  }
0x35: {  	s10 =	sld [smem:$0x3FB9];
	_ =	sdelay $0x3  }
0x36: {  	p1 =	seq.s32 s10, $0x1;
	s10 =	sld [smem:$0x3FBA];
	_ =	sdelay $0x3  }
0x37: {  	[smem:$0x3FBA] =	sst s10  }
0x38: {  	s10 =	sld [smem:$0x3FBB]  }
0x39: {  	_ = 	snop;
	(pc) =	sbr.ind lr, $3  }
0x3a: {  	_ = 	snop  }
0x3b: {  	_ = 	snop  }
0x3c: {  	p2 =	seq.s32 s10, $0x1;
	s10 =	sld [smem:$0x3FBA]  }
0x3d: {  	_ =	shalt  }
0x3e: {  	_ =	shalt  }
0x3f: {  	_ =	shalt  }
0x40: {  	_ =	shalt  }
0x41: {  	_ =	shalt  }
0x42: {  	_ =	shalt  }
0x43: {  	_ =	shalt  }
0x44: {  	_ =	shalt  }
0x45: {  	_ =	shalt  }
0x46: {  	_ =	shalt  }
0x47: {  	_ =	shalt  }
0x48: {  	_ =	shalt  }
0x49: {  	_ =	shalt  }
0x4a: {  	_ =	shalt  }
0x4b: {  	_ =	shalt  }
0x4c: {  	_ =	shalt  }
0x4d: {  	_ =	shalt  }
0x4e: {  	_ =	shalt  }
0x4f: {  	_ =	shalt  }
0x50: {  	_ =	shalt  }
0x51: {  	_ =	shalt  }
0x52: {  	_ =	shalt  }
0x53: {  	_ =	shalt  }
0x54: {  	_ =	shalt  }
0x55: {  	_ =	shalt  }
0x56: {  	_ =	shalt  }
0x57: {  	_ =	shalt  }
0x58: {  	_ =	shalt  }
0x59: {  	_ =	shalt  }
0x5a: {  	_ =	shalt  }
0x5b: {  	_ =	shalt  }
0x5c: {  	_ =	shalt  }
0x5d: {  	_ =	shalt  }
0x5e: {  	_ =	shalt  }
0x5f: {  	_ =	shalt  }
0x60: {  	_ =	shalt  }
0x61: {  	_ =	shalt  }
0x62: {  	_ =	shalt  }
0x63: {  	_ =	shalt  }
0x64: {  	_ =	shalt  }
0x65: {  	_ =	shalt  }
0x66: {  	_ =	shalt  }
0x67: {  	_ =	shalt  }
0x68: {  	_ =	shalt  }
0x69: {  	_ =	shalt  }
0x6a: {  	_ =	shalt  }
0x6b: {  	_ =	shalt  }
0x6c: {  	_ =	shalt  }
0x6d: {  	_ =	shalt  }
0x6e: {  	_ =	shalt  }
0x6f: {  	_ =	shalt  }
0x70: {  	_ =	shalt  }
0x71: {  	_ =	shalt  }
0x72: {  	_ =	shalt  }
0x73: {  	_ =	shalt  }
0x74: {  	_ =	shalt  }
0x75: {  	_ =	shalt  }
0x76: {  	_ =	shalt  }
0x77: {  	_ =	shalt  }
0x78: {  	_ =	shalt  }
0x79: {  	_ =	shalt  }
0x7a: {  	_ =	shalt  }
0x7b: {  	_ =	shalt  }
0x7c: {  	_ =	shalt  }
0x7d: {  	_ =	shalt  }
0x7e: {  	_ =	shalt  }
0x7f: {  	_ =	shalt  }
0x80: {  	_ =	shalt  }
0x81: {  	_ =	shalt  }
0x82: {  	_ =	shalt  }
0x83: {  	_ =	shalt  }
0x84: {  	_ =	shalt  }
0x85: {  	_ =	shalt  }
0x86: {  	_ =	shalt  }
0x87: {  	_ =	shalt  }
.Lfunc_end0:
.L_simem_size_0:
called_computation_lowered:
.L_overlay_start_0:
0x88: {  	s2 =	sld [smem:$0x3FD9]  }
0x89: {  	s3 =	sld [smem:$0x3FFE];
	_ =	sdelay $0x1  }
0x8a: {  	s1 =	srdreg.scid  }
0x8b: {  	s0 =	sand.u32 $0x1, s1  }
0x8c: {  	s17 =	sshll.u32 s0, $0xA;
	s2 =	sadd.s32 s3, s2  }
0x8d: {  	s2 =	sadd.s32 s2, s17  }
0x8e: {  	[smem:$0x3FC6] =	sst s2  }
0x8f: {  	_ = 	snop  }
0x90: {  	s2 =	sld [smem:$0x3FD0];
	(tm) =	ssettm $0x1  }
0x91: {  	s18 =	sld [smem:$0x3FFB];
	_ =	sdelay $0x3  }
0x92: {  	_ =	strace s18  }
0x93: {  	s3 =	sld [smem:$0x3FFC];
	_ =	sdelay $0x3  }
0x94: {  	_ =	strace s3  }
0x95: {  	s3 =	sld [smem:$0x3FFD];
	_ =	sdelay $0x3  }
0x96: {  	_ =	strace s3  }
0x97: {  	_ =	strace $0x8FFFFFFF  }
0x98: {  	s19 =	sld [smem:$0x3FDB];
	_ =	sdelay $0x1  }
0x99: {  	s4 =	simm.s32 $_scs_section_size  }
0x9a: {  	s5 =	simm.s32 $_size__tile_overlayer_lowered;
	s6 =	simm.s32 $_tile_overlayer_lowered  }
0x9b: {  	s22 =	simm.s32 $0x1BFF;
	s21 =	sshll.u32 s6, $0x1;
	s3 =	sadd.s32 s4, s19  }
0x9c: {  	s7 =	simm.s32 $0x0;
	s20 =	sshll.u32 s5, $0x1;
	s5 =	sadd.s32 s21, s3  }
0x9d: {  	[timem:s7], [sflag:s22] =	dma.local [hbm:s5], s20  }
0x9e: {  	_ =	swait.ge [sflag:s22], s20  }
0x9f: {  	s4 =	ssub.s32 $0x0, s20;
	[sflag:s22] =	ssyncset.done $0x0  }
0xa0: {  	[sflag:s22] =	ssyncadd.s32 s4;
	_ =	sdelay $0x1  }
0xa1: {  	s23 =	simm.s32 $0x1B8B  }
0xa2: {  	_ =	swait.ge [sflag:s23], $0x1  }
0xa3: {  	[sflag:s23] =	ssyncset.done $0x0  }
0xa4: {  	s25 =	simm.s32 $0x1B8E;
	s24 =	sld [smem:$0x3FFE];
	[sflag:s23] =	ssyncadd.s32 $0xFFFFFFFF  }
0xa5: {  	s26 =	simm.s32 $execute0_lowered;
	[smem:$0x3FD2] =	sst s25  }
0xa6: {  	s5 =	sshll.u32 s26, $0x1;
	_ =	strace $0x80000046;
	[dreg:$0x1] =	wrdreg $0xFFFFFFFF  }
0xa7: {  	s28 =	simm.s32 $_size_execute0_lowered;
	s3 =	sadd.s32 s3, s5;
	[dreg:$0x0] =	wrdreg $0x0  }
0xa8: {  	s5 =	sshll.u32 s28, $0x1;
	[dreg:$0x2] =	wrdreg s3  }
0xa9: {  	[dreg:$0x3] =	wrdreg s5  }
0xaa: {  	[dreg:$0x4] =	wrdreg $0xC0  }
0xab: {  	_ =	task [dreg:s7], $0x5FFFF  }
0xac: {  	[dreg:$0x1] =	wrdreg $0xFFFFFFFF  }
0xad: {  	[dreg:$0x0] =	wrdreg $0x60  }
0xae: {  	[dreg:$0x2] =	wrdreg s24  }
0xaf: {  	[dreg:$0x3] =	wrdreg s2  }
0xb0: {  	[dreg:$0x4] =	wrdreg $0x9  }
0xb1: {  	_ =	task.clear_ibuf [dreg:s7], $0x5FFFF;
	_ =	strace $0x90000046  }
0xb2: {  	s29 =	simm.s32 $0x9;
	_ =	strace $0x80000048  }
0xb3: {  	_ =	swait.ge [sflag:s29], $0x1  }
0xb4: {  	[sflag:s29] =	ssyncadd.s32 $0xFFFFFFFF  }
0xb5: {  	_ =	strace $0x90000048  }
0xb6: {  	_ =	sfence  }
0xb7: {  	s30 =	sld [smem:$0x0];
	_ =	sdelay $0x2  }
0xb8: {  	s31 =	sshll.u32 s1, $0xD;
	s1 =	sshrl.u32 s1, $0x2  }
0xb9: {  	s3 =	sand.u32 $0x4000, s31;
	s1 =	sadd.s32 s1, s30  }
0xba: {  	s0 =	sor.u32 s3, s0;
	s1 =	sshll.u32 s1, $0x11  }
0xbb: {  	s0 =	sor.u32 s1, s0  }
0xbc: {  	s0 =	sadd.s32 $0x8F2B, s0  }
0xbd: {  	[sflag:s0] =	ssyncadd.remote.s32 $0x1  }
0xbe: {  	_ =	sfence.sel $0xFFFF  }
0xbf: {  	[dreg:$0x0] =	wrdreg $0xFFFFFFFF;
	(pc) =	sbr.abs _section_cstart, $3  }
0xc0: {  	[dreg:$0x1] =	wrdreg $0xFFFFFFFF  }
0xc1: {  	_ =	task.clear_ibuf [dreg:s7], $0x2FFFF;
	_ =	strace $0x9FFFFFFF  }
0xc2: {  	(tm) =	ssettm $0x7FFFFFFF  }
0xc3: {  	_ =	shalt  }
tec
execute0_lowered:
.L_overlay_start_1:
0x0: {  	(tag) =	ssettag $0x1  }
0x1: {  	s1 =	srdreg.scid  }
0x2: {  	s0 =	stileid.u32;
	s3 =	rddreg [dreg:$0x0]  }
0x3: {  	s5 =	rddreg [dreg:$0x1];
	s19 =	simm.s32 $0x900;
	s20 =	simm.s32 $0x1100  }
0x4: {  	s21 =	simm.s32 $0x1900;
	s23 =	simm.s32 $0x2100;
	s24 =	simm.s32 $0x2900  }
0x5: {  	s25 =	simm.s32 $0x3100;
	s26 =	simm.s32 $0x3900;
	s8 =	simm.s32 $0x4900  }
0x6: {  	s9 =	simm.s32 $0x5100;
	s10 =	simm.s32 $0x5900;
	s11 =	simm.s32 $0x6100  }
0x7: {  	s12 =	simm.s32 $0x6900;
	s13 =	simm.s32 $0x7100;
	s14 =	simm.s32 $0x7900  }
0x8: {  	s15 =	simm.s32 $0x8100;
	s16 =	simm.s32 $0x8900;
	s1 =	sand.u32 $0x1, s1  }
0x9: {  	s17 =	simm.s32 $0x9100;
	s2 =	sshll.u32 s0, $0x9;
	s4 =	sshll.u32 s1, $0x8  }
0xa: {  	s18 =	simm.s32 $0x9900;
	s4 =	sor.u32 s4, s2;
	s2 =	simm.s32 $0x0  }
0xb: {  	s28 =	simm.s32 $0xE100;
	s29 =	simm.s32 $0xE900;
	[smem:$0x7FF] =	sst s2  }
0xc: {  	s30 =	simm.s32 $0xF100;
	_ =	strace $0x80000047;
	[dreg:$0x5] =	wrdreg s19  }
0xd: {  	s31 =	simm.s32 $0xF900;
	s1 =	ssub.s32 $0x2, s1;
	[dreg:$0x6] =	wrdreg s20  }
0xe: {  	s22 =	sshrl.u32 s1, $0x1;
	s6 =	sshrl.u32 s4, $0x3;
	[dreg:$0x7] =	wrdreg s21  }
0xf: {  	s4 =	sshll.u32 s4, $0x5;
	s1 =	ssub.s32 s1, s22;
	[dreg:$0x8] =	wrdreg s23  }
0x10: {  	s22 =	simm.s32 $0xB900;
	s6 =	sadd.s32 s6, s3;
	[dreg:$0x9] =	wrdreg s24  }
0x11: {  	s4 =	sadd.s32 s5, s4;
	s3 =	sadd.s32 $0xC00, s3;
	[dreg:$0xa] =	wrdreg s25  }
0x12: {  	s5 =	simm.s32 $0x2;
	[dreg:$0xb] =	wrdreg s26;
	s19 =	simm.s32 $0xA100  }
0x13: {  	s20 =	simm.s32 $0xA900;
	s21 =	simm.s32 $0xB100;
	s23 =	simm.s32 $0xC100  }
0x14: {  	v2 =	vlaneseq.u32;
	s24 =	simm.s32 $0xC900;
	s25 =	simm.s32 $0xD100;
	s26 =	simm.s32 $0xD900  }
0x15: {  	vm0 =	vmmov $0xffff;
	v1 =	vshrl.u32 v2, $0x3;
	s6 =	sadd.s32 $0x40C00, s6;
	[dreg:$0x4] =	wrdreg s4;
	s4 =	smax.u32 s1, $0x1  }
0x16: {  	v0 =	vand.u32 $0x7, v2;
	v2 =	vor.u32 $0x8, v2;
	v1 =	vmul.u32 $0x8, v1;
	s1 =	simm.s32 $0x1;
	[dreg:$0x3] =	wrdreg s6;
	s6 =	simm.s32 $0x100  }
.LBB2_1:
0x17: {  	s0 =	rddreg [dreg:$0x3]  }
0x18: {  	[tilespmem:s2], [sflag:$0x2] =	stream.linear.gather [hbm4b:s0+s2], $0x100, $0x38;
	[tilespmem:$0x10100] =	vst v63  }
0x19: {  	_ =	swait.ge [sflag:s5], $0x100  }
0x1a: {  	[sflag:s5] =	ssyncset.done $0x0  }
0x1b: {  	[sflag:s5] =	ssyncadd.s32 $0xFFFFFF00  }
0x1c: {  	v3 =	vld [tilespmem:$0x0];
	_ =	sdelay $0x4  }
0x1d: {  	v4 =	vshll.u32 v3, $0x1  }
0x1e: {  	v3 =	vand.u32 $0x7, v3;
	v4 =	vand.u32 $0xFFFFFFF0, v4  }
0x1f: {  	v3 =	vor.u32 v3, v4  }
0x20: {  	v4 =	vperm.xlane v3, v0;
	_ =	sdelay $0x1  }
0x21: {  	v3 =	vperm.xlane v3, v2;
	v4 =	vadd.s32 v1, v4;
	_ =	sdelay $0x1  }
0x22: {  	v3 =	vadd.s32 v1, v3;
	_ =	sdelay $0x2  }
0x23: {  	[tilespmem:s6], [sflag:$0x1] =	stream.indirect_vreg.gather [hbm4b:s3+s2], $0x80, v4, vm0, $0xb8;
	[tilespmem:$0x10100] =	vst v63  }
0x24: {  	s7 =	rddreg [dreg:$0x5]  }
0x25: {  	[tilespmem:s7], [sflag:$0x1] =	stream.indirect_vreg.gather [hbm4b:s3+s2], $0x80, v3, vm0, $0xb8;
	[tilespmem:$0x10100] =	vst v63  }
0x26: {  	v3 =	vld [tilespmem:$0x10];
	_ =	sdelay $0x4  }
0x27: {  	v49 =	vshll.u32 v3, $0x1  }
0x28: {  	v3 =	vand.u32 $0x7, v3;
	v4 =	vand.u32 $0xFFFFFFF0, v49  }
0x29: {  	v3 =	vor.u32 v3, v4  }
0x2a: {  	v4 =	vperm.xlane v3, v0;
	_ =	sdelay $0x1  }
0x2b: {  	v3 =	vperm.xlane v3, v2;
	v4 =	vadd.s32 v1, v4;
	_ =	sdelay $0x1  }
0x2c: {  	v3 =	vadd.s32 v1, v3;
	_ =	sdelay $0x1  }
0x2d: {  	s0 =	rddreg [dreg:$0x6]  }
0x2e: {  	[tilespmem:s0], [sflag:$0x1] =	stream.indirect_vreg.gather [hbm4b:s3+s2], $0x80, v4, vm0, $0xb8;
	[tilespmem:$0x10100] =	vst v63  }
0x2f: {  	s7 =	rddreg [dreg:$0x7]  }
0x30: {  	[tilespmem:s7], [sflag:$0x1] =	stream.indirect_vreg.gather [hbm4b:s3+s2], $0x80, v3, vm0, $0xb8;
	[tilespmem:$0x10100] =	vst v63  }
0x31: {  	v3 =	vld [tilespmem:$0x20];
	_ =	sdelay $0x4  }
0x32: {  	v50 =	vshll.u32 v3, $0x1  }
0x33: {  	v3 =	vand.u32 $0x7, v3;
	v4 =	vand.u32 $0xFFFFFFF0, v50  }
0x34: {  	v3 =	vor.u32 v3, v4  }
0x35: {  	v4 =	vperm.xlane v3, v0;
	_ =	sdelay $0x1  }
0x36: {  	v3 =	vperm.xlane v3, v2;
	v4 =	vadd.s32 v1, v4;
	_ =	sdelay $0x1  }
0x37: {  	v3 =	vadd.s32 v1, v3;
	_ =	sdelay $0x1  }
0x38: {  	s0 =	rddreg [dreg:$0x8]  }
0x39: {  	[tilespmem:s0], [sflag:$0x1] =	stream.indirect_vreg.gather [hbm4b:s3+s2], $0x80, v4, vm0, $0xb8;
	[tilespmem:$0x10100] =	vst v63  }
0x3a: {  	s7 =	rddreg [dreg:$0x9]  }
0x3b: {  	[tilespmem:s7], [sflag:$0x1] =	stream.indirect_vreg.gather [hbm4b:s3+s2], $0x80, v3, vm0, $0xb8;
	[tilespmem:$0x10100] =	vst v63  }
0x3c: {  	v3 =	vld [tilespmem:$0x30];
	_ =	sdelay $0x4  }
0x3d: {  	v51 =	vshll.u32 v3, $0x1  }
0x3e: {  	v3 =	vand.u32 $0x7, v3;
	v4 =	vand.u32 $0xFFFFFFF0, v51  }
0x3f: {  	v3 =	vor.u32 v3, v4  }
0x40: {  	v4 =	vperm.xlane v3, v0;
	_ =	sdelay $0x1  }
0x41: {  	v3 =	vperm.xlane v3, v2;
	v4 =	vadd.s32 v1, v4;
	_ =	sdelay $0x1  }
0x42: {  	v3 =	vadd.s32 v1, v3;
	_ =	sdelay $0x1  }
0x43: {  	s0 =	rddreg [dreg:$0xa]  }
0x44: {  	[tilespmem:s0], [sflag:$0x1] =	stream.indirect_vreg.gather [hbm4b:s3+s2], $0x80, v4, vm0, $0xb8;
	[tilespmem:$0x10100] =	vst v63  }
0x45: {  	s7 =	rddreg [dreg:$0xb]  }
0x46: {  	[tilespmem:s7], [sflag:$0x1] =	stream.indirect_vreg.gather [hbm4b:s3+s2], $0x80, v3, vm0, $0xb8;
	[tilespmem:$0x10100] =	vst v63  }
0x47: {  	v3 =	vld [tilespmem:$0x40];
	_ =	sdelay $0x4  }
0x48: {  	v52 =	vshll.u32 v3, $0x1  }
0x49: {  	v3 =	vand.u32 $0x7, v3;
	v4 =	vand.u32 $0xFFFFFFF0, v52  }
0x4a: {  	v3 =	vor.u32 v3, v4  }
0x4b: {  	v4 =	vperm.xlane v3, v0;
	_ =	sdelay $0x1  }
0x4c: {  	v3 =	vperm.xlane v3, v2;
	v4 =	vadd.s32 v1, v4;
	_ =	sdelay $0x1  }
0x4d: {  	v3 =	vadd.s32 v1, v3;
	_ =	sdelay $0x1  }
0x4e: {  	s7 =	simm.s32 $0x4100  }
0x4f: {  	[tilespmem:s7], [sflag:$0x1] =	stream.indirect_vreg.gather [hbm4b:s3+s2], $0x80, v4, vm0, $0xb8;
	[tilespmem:$0x10100] =	vst v63  }
0x50: {  	_ = 	snop  }
0x51: {  	[tilespmem:s8], [sflag:$0x1] =	stream.indirect_vreg.gather [hbm4b:s3+s2], $0x80, v3, vm0, $0xb8;
	[tilespmem:$0x10100] =	vst v63  }
0x52: {  	v3 =	vld [tilespmem:$0x50];
	_ =	sdelay $0x4  }
0x53: {  	v53 =	vshll.u32 v3, $0x1  }
0x54: {  	v3 =	vand.u32 $0x7, v3;
	v4 =	vand.u32 $0xFFFFFFF0, v53  }
0x55: {  	v3 =	vor.u32 v3, v4  }
0x56: {  	v4 =	vperm.xlane v3, v0;
	_ =	sdelay $0x1  }
0x57: {  	v3 =	vperm.xlane v3, v2;
	v4 =	vadd.s32 v1, v4;
	_ =	sdelay $0x1  }
0x58: {  	v3 =	vadd.s32 v1, v3;
	_ =	sdelay $0x2  }
0x59: {  	[tilespmem:s9], [sflag:$0x1] =	stream.indirect_vreg.gather [hbm4b:s3+s2], $0x80, v4, vm0, $0xb8;
	[tilespmem:$0x10100] =	vst v63  }
0x5a: {  	_ = 	snop  }
0x5b: {  	[tilespmem:s10], [sflag:$0x1] =	stream.indirect_vreg.gather [hbm4b:s3+s2], $0x80, v3, vm0, $0xb8;
	[tilespmem:$0x10100] =	vst v63  }
0x5c: {  	v3 =	vld [tilespmem:$0x60];
	_ =	sdelay $0x4  }
0x5d: {  	v54 =	vshll.u32 v3, $0x1  }
0x5e: {  	v3 =	vand.u32 $0x7, v3;
	v4 =	vand.u32 $0xFFFFFFF0, v54  }
0x5f: {  	v3 =	vor.u32 v3, v4  }
0x60: {  	v4 =	vperm.xlane v3, v0;
	_ =	sdelay $0x1  }
0x61: {  	v3 =	vperm.xlane v3, v2;
	v4 =	vadd.s32 v1, v4;
	_ =	sdelay $0x1  }
0x62: {  	v3 =	vadd.s32 v1, v3;
	_ =	sdelay $0x2  }
0x63: {  	[tilespmem:s11], [sflag:$0x1] =	stream.indirect_vreg.gather [hbm4b:s3+s2], $0x80, v4, vm0, $0xb8;
	[tilespmem:$0x10100] =	vst v63  }
0x64: {  	_ = 	snop  }
0x65: {  	[tilespmem:s12], [sflag:$0x1] =	stream.indirect_vreg.gather [hbm4b:s3+s2], $0x80, v3, vm0, $0xb8;
	[tilespmem:$0x10100] =	vst v63  }
0x66: {  	v3 =	vld [tilespmem:$0x70];
	_ =	sdelay $0x4  }
0x67: {  	v55 =	vshll.u32 v3, $0x1  }
0x68: {  	v3 =	vand.u32 $0x7, v3;
	v4 =	vand.u32 $0xFFFFFFF0, v55  }
0x69: {  	v3 =	vor.u32 v3, v4  }
0x6a: {  	v4 =	vperm.xlane v3, v0;
	_ =	sdelay $0x1  }
0x6b: {  	v3 =	vperm.xlane v3, v2;
	v4 =	vadd.s32 v1, v4;
	_ =	sdelay $0x1  }
0x6c: {  	v3 =	vadd.s32 v1, v3;
	_ =	sdelay $0x2  }
0x6d: {  	[tilespmem:s13], [sflag:$0x1] =	stream.indirect_vreg.gather [hbm4b:s3+s2], $0x80, v4, vm0, $0xb8;
	[tilespmem:$0x10100] =	vst v63  }
0x6e: {  	_ = 	snop  }
0x6f: {  	[tilespmem:s14], [sflag:$0x1] =	stream.indirect_vreg.gather [hbm4b:s3+s2], $0x80, v3, vm0, $0xb8;
	[tilespmem:$0x10100] =	vst v63  }
0x70: {  	v3 =	vld [tilespmem:$0x80];
	_ =	sdelay $0x4  }
0x71: {  	v56 =	vshll.u32 v3, $0x1  }
0x72: {  	v3 =	vand.u32 $0x7, v3;
	v4 =	vand.u32 $0xFFFFFFF0, v56  }
0x73: {  	v3 =	vor.u32 v3, v4  }
0x74: {  	v4 =	vperm.xlane v3, v0;
	_ =	sdelay $0x1  }
0x75: {  	v3 =	vperm.xlane v3, v2;
	v4 =	vadd.s32 v1, v4;
	_ =	sdelay $0x1  }
0x76: {  	v3 =	vadd.s32 v1, v3;
	_ =	sdelay $0x2  }
0x77: {  	[tilespmem:s15], [sflag:$0x1] =	stream.indirect_vreg.gather [hbm4b:s3+s2], $0x80, v4, vm0, $0xb8;
	[tilespmem:$0x10100] =	vst v63  }
0x78: {  	_ = 	snop  }
0x79: {  	[tilespmem:s16], [sflag:$0x1] =	stream.indirect_vreg.gather [hbm4b:s3+s2], $0x80, v3, vm0, $0xb8;
	[tilespmem:$0x10100] =	vst v63  }
0x7a: {  	v3 =	vld [tilespmem:$0x90];
	_ =	sdelay $0x4  }
0x7b: {  	v57 =	vshll.u32 v3, $0x1  }
0x7c: {  	v3 =	vand.u32 $0x7, v3;
	v4 =	vand.u32 $0xFFFFFFF0, v57  }
0x7d: {  	v3 =	vor.u32 v3, v4  }
0x7e: {  	v4 =	vperm.xlane v3, v0;
	_ =	sdelay $0x1  }
0x7f: {  	v3 =	vperm.xlane v3, v2;
	v4 =	vadd.s32 v1, v4;
	_ =	sdelay $0x1  }
0x80: {  	v3 =	vadd.s32 v1, v3;
	_ =	sdelay $0x2  }
0x81: {  	[tilespmem:s17], [sflag:$0x1] =	stream.indirect_vreg.gather [hbm4b:s3+s2], $0x80, v4, vm0, $0xb8;
	[tilespmem:$0x10100] =	vst v63  }
0x82: {  	_ = 	snop  }
0x83: {  	[tilespmem:s18], [sflag:$0x1] =	stream.indirect_vreg.gather [hbm4b:s3+s2], $0x80, v3, vm0, $0xb8;
	[tilespmem:$0x10100] =	vst v63  }
0x84: {  	v3 =	vld [tilespmem:$0xA0];
	_ =	sdelay $0x4  }
0x85: {  	v58 =	vshll.u32 v3, $0x1  }
0x86: {  	v3 =	vand.u32 $0x7, v3;
	v4 =	vand.u32 $0xFFFFFFF0, v58  }
0x87: {  	v3 =	vor.u32 v3, v4  }
0x88: {  	v4 =	vperm.xlane v3, v0;
	_ =	sdelay $0x1  }
0x89: {  	v3 =	vperm.xlane v3, v2;
	v4 =	vadd.s32 v1, v4;
	_ =	sdelay $0x1  }
0x8a: {  	v3 =	vadd.s32 v1, v3;
	_ =	sdelay $0x2  }
0x8b: {  	[tilespmem:s19], [sflag:$0x1] =	stream.indirect_vreg.gather [hbm4b:s3+s2], $0x80, v4, vm0, $0xb8;
	[tilespmem:$0x10100] =	vst v63  }
0x8c: {  	_ = 	snop  }
0x8d: {  	[tilespmem:s20], [sflag:$0x1] =	stream.indirect_vreg.gather [hbm4b:s3+s2], $0x80, v3, vm0, $0xb8;
	[tilespmem:$0x10100] =	vst v63  }
0x8e: {  	v3 =	vld [tilespmem:$0xB0];
	_ =	sdelay $0x4  }
0x8f: {  	v59 =	vshll.u32 v3, $0x1  }
0x90: {  	v3 =	vand.u32 $0x7, v3;
	v4 =	vand.u32 $0xFFFFFFF0, v59  }
0x91: {  	v3 =	vor.u32 v3, v4  }
0x92: {  	v4 =	vperm.xlane v3, v0;
	_ =	sdelay $0x1  }
0x93: {  	v3 =	vperm.xlane v3, v2;
	v4 =	vadd.s32 v1, v4;
	_ =	sdelay $0x1  }
0x94: {  	v3 =	vadd.s32 v1, v3;
	_ =	sdelay $0x2  }
0x95: {  	[tilespmem:s21], [sflag:$0x1] =	stream.indirect_vreg.gather [hbm4b:s3+s2], $0x80, v4, vm0, $0xb8;
	[tilespmem:$0x10100] =	vst v63  }
0x96: {  	_ = 	snop  }
0x97: {  	[tilespmem:s22], [sflag:$0x1] =	stream.indirect_vreg.gather [hbm4b:s3+s2], $0x80, v3, vm0, $0xb8;
	[tilespmem:$0x10100] =	vst v63  }
0x98: {  	v3 =	vld [tilespmem:$0xC0];
	_ =	sdelay $0x4  }
0x99: {  	v60 =	vshll.u32 v3, $0x1  }
0x9a: {  	v3 =	vand.u32 $0x7, v3;
	v4 =	vand.u32 $0xFFFFFFF0, v60  }
0x9b: {  	v3 =	vor.u32 v3, v4  }
0x9c: {  	v4 =	vperm.xlane v3, v0;
	_ =	sdelay $0x1  }
0x9d: {  	v3 =	vperm.xlane v3, v2;
	v4 =	vadd.s32 v1, v4;
	_ =	sdelay $0x1  }
0x9e: {  	v3 =	vadd.s32 v1, v3;
	_ =	sdelay $0x2  }
0x9f: {  	[tilespmem:s23], [sflag:$0x1] =	stream.indirect_vreg.gather [hbm4b:s3+s2], $0x80, v4, vm0, $0xb8;
	[tilespmem:$0x10100] =	vst v63  }
0xa0: {  	_ = 	snop  }
0xa1: {  	[tilespmem:s24], [sflag:$0x1] =	stream.indirect_vreg.gather [hbm4b:s3+s2], $0x80, v3, vm0, $0xb8;
	[tilespmem:$0x10100] =	vst v63  }
0xa2: {  	v3 =	vld [tilespmem:$0xD0];
	_ =	sdelay $0x4  }
0xa3: {  	v61 =	vshll.u32 v3, $0x1  }
0xa4: {  	v3 =	vand.u32 $0x7, v3;
	v4 =	vand.u32 $0xFFFFFFF0, v61  }
0xa5: {  	v3 =	vor.u32 v3, v4  }
0xa6: {  	v4 =	vperm.xlane v3, v0;
	_ =	sdelay $0x1  }
0xa7: {  	v3 =	vperm.xlane v3, v2;
	v4 =	vadd.s32 v1, v4;
	_ =	sdelay $0x1  }
0xa8: {  	v3 =	vadd.s32 v1, v3;
	_ =	sdelay $0x2  }
0xa9: {  	[tilespmem:s25], [sflag:$0x1] =	stream.indirect_vreg.gather [hbm4b:s3+s2], $0x80, v4, vm0, $0xb8;
	[tilespmem:$0x10100] =	vst v63  }
0xaa: {  	_ = 	snop  }
0xab: {  	[tilespmem:s26], [sflag:$0x1] =	stream.indirect_vreg.gather [hbm4b:s3+s2], $0x80, v3, vm0, $0xb8;
	[tilespmem:$0x10100] =	vst v63  }
0xac: {  	v3 =	vld [tilespmem:$0xE0];
	_ =	sdelay $0x4  }
0xad: {  	v62 =	vshll.u32 v3, $0x1  }
0xae: {  	v3 =	vand.u32 $0x7, v3;
	v4 =	vand.u32 $0xFFFFFFF0, v62  }
0xaf: {  	v3 =	vor.u32 v3, v4  }
0xb0: {  	v4 =	vperm.xlane v3, v0;
	_ =	sdelay $0x1  }
0xb1: {  	v3 =	vperm.xlane v3, v2;
	v4 =	vadd.s32 v1, v4;
	_ =	sdelay $0x1  }
0xb2: {  	v3 =	vadd.s32 v1, v3;
	_ =	sdelay $0x2  }
0xb3: {  	[tilespmem:s28], [sflag:$0x1] =	stream.indirect_vreg.gather [hbm4b:s3+s2], $0x80, v4, vm0, $0xb8;
	[tilespmem:$0x10100] =	vst v63  }
0xb4: {  	_ = 	snop  }
0xb5: {  	[tilespmem:s29], [sflag:$0x1] =	stream.indirect_vreg.gather [hbm4b:s3+s2], $0x80, v3, vm0, $0xb8;
	[tilespmem:$0x10100] =	vst v63  }
0xb6: {  	v3 =	vld [tilespmem:$0xF0];
	_ =	sdelay $0x4  }
0xb7: {  	v63 =	vshll.u32 v3, $0x1  }
0xb8: {  	v3 =	vand.u32 $0x7, v3;
	v4 =	vand.u32 $0xFFFFFFF0, v63  }
0xb9: {  	v3 =	vor.u32 v3, v4  }
0xba: {  	v4 =	vperm.xlane v3, v0;
	_ =	sdelay $0x1  }
0xbb: {  	v3 =	vperm.xlane v3, v2;
	v4 =	vadd.s32 v1, v4;
	_ =	sdelay $0x1  }
0xbc: {  	v3 =	vadd.s32 v1, v3;
	_ =	sdelay $0x2  }
0xbd: {  	[tilespmem:s30], [sflag:$0x1] =	stream.indirect_vreg.gather [hbm4b:s3+s2], $0x80, v4, vm0, $0xb8;
	[tilespmem:$0x10100] =	vst v63  }
0xbe: {  	_ = 	snop  }
0xbf: {  	[tilespmem:s31], [sflag:$0x1] =	stream.indirect_vreg.gather [hbm4b:s3+s2], $0x80, v3, vm0, $0xb8;
	[tilespmem:$0x10100] =	vst v63  }
0xc0: {  	_ =	swait.ge [sflag:s1], $0x10000  }
0xc1: {  	p0 =	sne.s32 s4, $0x1;
	[sflag:s1] =	ssyncset.done $0x0  }
.Ltmp0:
0xc2: {  	s7 =	rddreg [dreg:$0x4];
	[sflag:s1] =	ssyncadd.s32 $0xFFFF0000;
	(pc) =	sbr.rel @p0 .LBB2_1-.Ltmp0, $4  }
0xc3: {  	[hbm4b:s7+s2] =	stream.linear.scatter [tilespmem:s6], [sflag:$0x2], $0x10000, $0x38;
	[tilespmem:$0x10100] =	vst v63  }
0xc4: {  	_ =	swait.ge [sflag:s5], $0x10000  }
0xc5: {  	[sflag:s5] =	ssyncset.done $0x0  }
0xc6: {  	s4 =	sadd.s32 $0xFFFFFFFF, s4;
	[sflag:s5] =	ssyncadd.s32 $0xFFFF0000  }
0xc7: {  	_ =	sfence.sel $0x180000  }
0xc8: {  	[bflag:$0x0] =	sbarrier.arrive $0xFFFF  }
0xc9: {  	_ =	strace $0x90000047  }
0xca: {  	s0 =	stileid.u32;
	[bflag:$0x2] =	sbarrier.arrive $0xFFFF  }
0xcb: {  	p0 =	sne.s32 s0, $0x0;
	s0 =	rddreg [dreg:$0x2]  }
0xcc: {  	s0 =	sadd.s32 @!p0 $0x100000, s0  }
0xcd: {  	[sflag:s0] =	ssyncadd.tile.s32 @!p0 $0x1;
	_ =	shalt  }
.Lfunc_end2:
_tile_overlayer_lowered:
.L_overlay_start_2:
0xce: {  	(tag) =	ssettag $0x2  }
0xcf: {  	s0 =	rddreg [dreg:$0x0];
	s2 =	stileid.u32  }
0xd0: {  	s1 =	rddreg [dreg:$0x1];
	p0 =	sne.s32 s2, $0x0  }
0xd1: {  	s3 =	rddreg [dreg:$0x2];
	[bflag:$0x3] =	sbarrier.arrive $0xFFFF;
	s2 =	simm.s32 @!p0 $0x1C02  }
0xd2: {  	[timem:s3], [sflag:s2] =	dma.local @!p0 [hbm:s0], s1  }
0xd3: {  	s0 =	simm.s32 @!p0 $0x2  }
0xd4: {  	_ =	swait.ge @!p0 [sflag:s0], s1  }
0xd5: {  	s1 =	ssub.s32 @!p0 $0x0, s1;
	[sflag:s0] =	ssyncset.done @!p0 $0x0  }
0xd6: {  	[sflag:s0] =	ssyncadd.s32 @!p0 s1  }
0xd7: {  	[bflag:$0x3] =	sbarrier.arrive $0xFFFF  }
0xd8: {  	_ =	shalt  }

</sc_bundles>
